<compile_context>
chip_gen: v7x
topology: tpu7x:2x2x1
jax: 0.10.2.dev20260603
libtpu: 0.0.44.dev20260713+nightly
codegen_flags: <defaults>
</compile_context>

<pallas_src>
import functools

import jax
import jax.numpy as jnp
from jax import lax
from jax.experimental import pallas as pl
from jax.experimental.pallas import tpu as pltpu
from jax.experimental.pallas import tpu_sc as plsc

N = 10000
E = 320000
D = 128
NC = 2
NS = 16
B = 32
NBUF = 8
KB = 25
NBLK = 25
EPT = E // NS
K = NBLK * KB

_mesh = plsc.VectorSubcoreMesh(core_axis_name="c", subcore_axis_name="s")


@functools.partial(
    pl.kernel,
    out_type=jax.ShapeDtypeStruct((NC, N, D), jnp.float32),
    mesh=_mesh,
    scratch_types=[
        pltpu.VMEM((2, KB, B), jnp.int32),
        pltpu.VMEM((2, KB, B), jnp.int32),
        pltpu.VMEM((NBUF, B, D), jnp.float32),
        pltpu.VMEM_SHARED((N, D), jnp.float32),
        pltpu.SemaphoreType.DMA((NBUF,)),
        pltpu.SemaphoreType.DMA((2,)),
        pltpu.SemaphoreType.DMA((NBUF,)),
    ],
)
def _agg_kernel(x_hbm, src_hbm, dst_hbm, out_hbm, src_v, dst_v, rows_v, acc_sh,
                gsem, isem, ssem):
    c = lax.axis_index("c")
    s = lax.axis_index("s")
    w = c * NS + s

    pltpu.sync_copy(
        x_hbm.at[pl.ds(s * 624, 624)], acc_sh.at[pl.ds(s * 624, 624)])

    @pl.when(s == 0)
    def _():
        pltpu.sync_copy(
            x_hbm.at[pl.ds(16 * 624, N - 16 * 624)],
            acc_sh.at[pl.ds(16 * 624, N - 16 * 624)],
        )

    plsc.subcore_barrier()

    pltpu.sync_copy(src_hbm.at[w, 0], src_v.at[0])
    pltpu.sync_copy(dst_hbm.at[w, 0], dst_v.at[0])
    for t in range(NBUF - 1):
        pltpu.async_copy(x_hbm.at[src_v.at[0, t]], rows_v.at[t], gsem.at[t])

    def body(j, carry):
        p = j % NBUF
        b = j // KB
        jj = j % KB
        bp = b % 2

        g = j + NBUF - 1
        gp = g % NBUF
        gb = g // KB
        gjj = g % KB
        gbp = gb % 2

        @pl.when(jnp.logical_and(jj == 0, b + 1 < NBLK))
        def _():
            pltpu.async_copy(src_hbm.at[w, b + 1], src_v.at[1 - bp],
                             isem.at[1 - bp])
            pltpu.async_copy(dst_hbm.at[w, b + 1], dst_v.at[1 - bp],
                             isem.at[1 - bp])

        @pl.when(g < K)
        def _():
            @pl.when(gjj == 0)
            def _():
                pltpu.make_async_copy(src_hbm.at[w, gb], src_v.at[gbp],
                                      isem.at[gbp]).wait()
                pltpu.make_async_copy(dst_hbm.at[w, gb], dst_v.at[gbp],
                                      isem.at[gbp]).wait()

            @pl.when(g >= NBUF)
            def _():
                pltpu.make_async_copy(
                    rows_v.at[gp], acc_sh.at[dst_v.at[0, 0]],
                    ssem.at[gp]).wait()

            pltpu.async_copy(x_hbm.at[src_v.at[gbp, gjj]], rows_v.at[gp],
                             gsem.at[gp])

        pltpu.make_async_copy(x_hbm.at[src_v.at[bp, jj]], rows_v.at[p],
                              gsem.at[p]).wait()
        pltpu.async_copy(rows_v.at[p], acc_sh.at[dst_v.at[bp, jj]],
                         ssem.at[p], add=True)
        return carry

    lax.fori_loop(0, K, body, 0, unroll=False)

    for t in range(NBUF):
        pltpu.make_async_copy(rows_v.at[t], acc_sh.at[dst_v.at[0, 0]],
                              ssem.at[t]).wait()

    plsc.subcore_barrier()
    pltpu.sync_copy(
        acc_sh.at[pl.ds(s * 624, 624)],
        out_hbm.at[c, pl.ds(s * 624, 624)],
    )

    @pl.when(s == 0)
    def _():
        pltpu.sync_copy(
            acc_sh.at[pl.ds(16 * 624, N - 16 * 624)],
            out_hbm.at[c, pl.ds(16 * 624, N - 16 * 624)],
        )


BLK = 1000


def _mlp_body(h_ref, w1_ref, b1_ref, w2_ref, b2_ref, o_ref):
    w1 = w1_ref[...]
    b1 = b1_ref[...]
    rf = jnp.maximum(
        jnp.dot(h_ref[0], w1, preferred_element_type=jnp.float32) + b1, 0.0)
    rb = jnp.maximum(
        jnp.dot(h_ref[1], w1, preferred_element_type=jnp.float32) + b1, 0.0)
    o = jnp.dot(rf + rb, w2_ref[...], preferred_element_type=jnp.float32) * 0.5
    o_ref[...] = jnp.maximum(o + b2_ref[...], 0.0)


def kernel(x, edge_index, reverse_edge_index, W1, b1, W2, b2):
    ei = edge_index.astype(jnp.int32)
    rei = reverse_edge_index.astype(jnp.int32)
    src = jnp.concatenate([ei[0], rei[0]]).reshape(NC * NS, NBLK, KB, B)
    dst = jnp.concatenate([ei[1], rei[1]]).reshape(NC * NS, NBLK, KB, B)
    h = _agg_kernel(x, src, dst)

    out = pl.pallas_call(
        _mlp_body,
        grid=(N // BLK,),
        in_specs=[
            pl.BlockSpec((NC, BLK, D), lambda i: (0, i, 0)),
            pl.BlockSpec((D, D), lambda i: (0, 0)),
            pl.BlockSpec((1, D), lambda i: (0, 0)),
            pl.BlockSpec((D, D), lambda i: (0, 0)),
            pl.BlockSpec((1, D), lambda i: (0, 0)),
        ],
        out_specs=pl.BlockSpec((BLK, D), lambda i: (i, 0)),
        out_shape=jax.ShapeDtypeStruct((N, D), jnp.float32),
    )(h, W1, b1.reshape(1, D), W2, b2.reshape(1, D))
    return out

# --- scband reference (transcript-rebuilt; emitter-appended) ---
"""Pipeline reference for scband-bidirectional-ginconv-19610820673951 (READ-ONLY COPY).

The authoritative reference and input builder live on the scoring server;
editing this copy changes nothing except your own understanding.
"""

import jax, jax.numpy as jnp
import numpy as np

N = 10000
E = 320000
D_IN = 128
D_HID = 128
D_OUT = 128


def setup_inputs(seed: int = 0) -> dict:
    key = jax.random.key(seed)
    k1, k2, k3, k4, k5, k6, k7 = jax.random.split(key, 7)
    x = jax.random.normal(k1, (N, D_IN), dtype=jnp.float32)
    edge_index = jax.random.randint(k2, (2, E), 0, N, dtype=jnp.int64)
    reverse_edge_index = jax.random.randint(k3, (2, E), 0, N, dtype=jnp.int64)
    s1 = 1.0 / np.sqrt(D_IN)
    s2 = 1.0 / np.sqrt(D_HID)
    W1 = jax.random.uniform(k4, (D_IN, D_HID), minval=-s1, maxval=s1, dtype=jnp.float32)
    b1 = jax.random.uniform(k5, (D_HID,), minval=-s1, maxval=s1, dtype=jnp.float32)
    W2 = jax.random.uniform(k6, (D_HID, D_OUT), minval=-s2, maxval=s2, dtype=jnp.float32)
    b2 = jax.random.uniform(k7, (D_OUT,), minval=-s2, maxval=s2, dtype=jnp.float32)
    return {"x": x, "edge_index": edge_index, "reverse_edge_index": reverse_edge_index,
            "W1": W1, "b1": b1, "W2": W2, "b2": b2}


def _gin_conv(x, edge_index, W1, b1, W2, b2, eps=0.0):
    # GIN: mlp((1 + eps) * x + sum_{j in N(i)} x_j)
    src, dst = edge_index[0], edge_index[1]
    agg = jnp.zeros_like(x).at[dst].add(x[src])
    h = (1.0 + eps) * x + agg
    h = jax.nn.relu(h @ W1 + b1)
    h = h @ W2 + b2
    return h


def reference(x, edge_index, reverse_edge_index, W1, b1, W2, b2):
    # Both GINConvs share the same MLP parameters (same Sequential passed to both)
    x_forward = _gin_conv(x, edge_index, W1, b1, W2, b2)
    x_backward = _gin_conv(x, reverse_edge_index, W1, b1, W2, b2)
    out = (x_forward + x_backward) / 2.0
    out = jax.nn.relu(out)
    return out

if __name__ == "__main__":
    import jax
    _d = setup_inputs()
    print(jax.jit(kernel)(*tuple(_d.values())))

</pallas_src>

<mosaic_0001>
#map = affine_map<(d0, d1) -> (0, 0)>
#map1 = affine_map<(d0, d1) -> (0, 0, 0, 0)>
#map2 = affine_map<(d0, d1) -> (0, 0, 0)>
module attributes {stable_mosaic.version = 14 : i64} {
  func.func @_agg_kernel(%arg0: i32, %arg1: i32, %arg2: memref<10000x128xf32, #tpu.memory_space<hbm>>, %arg3: memref<32x25x25x32xi32, #tpu.memory_space<hbm>>, %arg4: memref<32x25x25x32xi32, #tpu.memory_space<hbm>>, %arg5: memref<2x10000x128xf32, #tpu.memory_space<hbm>>, %arg6: memref<2x25x32xi32, #tpu.memory_space<vmem>>, %arg7: memref<2x25x32xi32, #tpu.memory_space<vmem>>, %arg8: memref<8x32x128xf32, #tpu.memory_space<vmem>>, %arg9: memref<10000x128xf32, #tpu.memory_space<vmem_shared>>, %arg10: memref<8x!tpu.dma_semaphore, #tpu.memory_space<semaphore_mem>>, %arg11: memref<2x!tpu.dma_semaphore, #tpu.memory_space<semaphore_mem>>, %arg12: memref<8x!tpu.dma_semaphore, #tpu.memory_space<semaphore_mem>>) attributes {dimension_semantics = [#tpu.dimension_semantics<core_parallel>, #tpu.dimension_semantics<subcore_parallel>], iteration_bounds = array<i64: 2, 16>, scalar_prefetch = 0 : i64, scratch_operands = 7 : i64, tpu.core_type = #tpu.core_type<sc_vector_subcore>, window_params = [{transform_indices = #map}, {transform_indices = #map1}, {transform_indices = #map1}, {transform_indices = #map2}]} {
    %mul3A = arith.constant 16 : i32
    %mul3A_0 = arith.muli %arg0, %mul3A : i32
    %add3A = arith.addi %mul3A_0, %arg1 : i32
    %mul3A_1 = arith.constant 624 : i32
    %mul3A_2 = arith.muli %arg1, %mul3A_1 : i32
    %mul3A_3 = arith.constant 624 : i32
    %mul3A_4 = arith.muli %arg1, %mul3A_3 : i32
    "tpu.region"() ({
      %run_scoped3A_263 = tpu.sem_alloc : memref<!tpu.dma_semaphore, #tpu.memory_space<semaphore_mem>>
      %dma_start3A_264 = arith.constant 0 : i32
      %dma_start3A_265 = tpu.memref_slice %arg9[%mul3A_4, %dma_start3A_264] : memref<10000x128xf32, #tpu.memory_space<vmem_shared>> -> memref<624x128xf32, #tpu.memory_space<vmem_shared>>
      %dma_start3A_266 = arith.constant 0 : i32
      %dma_start3A_267 = tpu.memref_slice %arg2[%mul3A_2, %dma_start3A_266] : memref<10000x128xf32, #tpu.memory_space<hbm>> -> memref<624x128xf32, #tpu.memory_space<hbm>>
      tpu.enqueue_dma source(%dma_start3A_267 : memref<624x128xf32, #tpu.memory_space<hbm>>) target(%dma_start3A_265 : memref<624x128xf32, #tpu.memory_space<vmem_shared>>) target_semaphore(%run_scoped3A_263 : memref<!tpu.dma_semaphore, #tpu.memory_space<semaphore_mem>>)
      %dma_wait3A_268 = arith.constant 0 : i32
      %dma_wait3A_269 = tpu.memref_slice %arg9[%mul3A_4, %dma_wait3A_268] : memref<10000x128xf32, #tpu.memory_space<vmem_shared>> -> memref<624x128xf32, #tpu.memory_space<vmem_shared>>
      %dma_wait3A_270 = arith.constant 0 : i32
      %dma_wait3A_271 = tpu.memref_slice %arg2[%mul3A_2, %dma_wait3A_270] : memref<10000x128xf32, #tpu.memory_space<hbm>> -> memref<624x128xf32, #tpu.memory_space<hbm>>
      tpu.wait_dma2 semaphore(%run_scoped3A_263 : memref<!tpu.dma_semaphore, #tpu.memory_space<semaphore_mem>>) src(%dma_wait3A_271 : memref<624x128xf32, #tpu.memory_space<hbm>>) dst(%dma_wait3A_269 : memref<624x128xf32, #tpu.memory_space<vmem_shared>>)
      tpu.yield
    }) : () -> ()
    %eq3A = arith.constant 0 : i32
    %eq3A_5 = arith.cmpi eq, %arg1, %eq3A : i32
    %convert_element_type3A = arith.extui %eq3A_5 : i1 to i32
    %cond3A = arith.constant 0 : i32
    %cond3A_6 = arith.cmpi ne, %convert_element_type3A, %cond3A : i32
    scf.if %cond3A_6 {
      "tpu.region"() ({
        %run_scoped3A_263 = tpu.sem_alloc : memref<!tpu.dma_semaphore, #tpu.memory_space<semaphore_mem>>
        %dma_start3A_264 = arith.constant 9984 : i32
        %dma_start3A_265 = arith.constant 0 : i32
        %dma_start3A_266 = tpu.memref_slice %arg9[%dma_start3A_264, %dma_start3A_265] : memref<10000x128xf32, #tpu.memory_space<vmem_shared>> -> memref<16x128xf32, #tpu.memory_space<vmem_shared>>
        %dma_start3A_267 = arith.constant 9984 : i32
        %dma_start3A_268 = arith.constant 0 : i32
        %dma_start3A_269 = tpu.memref_slice %arg2[%dma_start3A_267, %dma_start3A_268] : memref<10000x128xf32, #tpu.memory_space<hbm>> -> memref<16x128xf32, #tpu.memory_space<hbm>>
        tpu.enqueue_dma source(%dma_start3A_269 : memref<16x128xf32, #tpu.memory_space<hbm>>) target(%dma_start3A_266 : memref<16x128xf32, #tpu.memory_space<vmem_shared>>) target_semaphore(%run_scoped3A_263 : memref<!tpu.dma_semaphore, #tpu.memory_space<semaphore_mem>>)
        %dma_wait3A_270 = arith.constant 9984 : i32
        %dma_wait3A_271 = arith.constant 0 : i32
        %dma_wait3A_272 = tpu.memref_slice %arg9[%dma_wait3A_270, %dma_wait3A_271] : memref<10000x128xf32, #tpu.memory_space<vmem_shared>> -> memref<16x128xf32, #tpu.memory_space<vmem_shared>>
        %dma_wait3A_273 = arith.constant 9984 : i32
        %dma_wait3A_274 = arith.constant 0 : i32
        %dma_wait3A_275 = tpu.memref_slice %arg2[%dma_wait3A_273, %dma_wait3A_274] : memref<10000x128xf32, #tpu.memory_space<hbm>> -> memref<16x128xf32, #tpu.memory_space<hbm>>
        tpu.wait_dma2 semaphore(%run_scoped3A_263 : memref<!tpu.dma_semaphore, #tpu.memory_space<semaphore_mem>>) src(%dma_wait3A_275 : memref<16x128xf32, #tpu.memory_space<hbm>>) dst(%dma_wait3A_272 : memref<16x128xf32, #tpu.memory_space<vmem_shared>>)
        tpu.yield
      }) : () -> ()
    } else {
    }
    %barrier3A = arith.constant 0 : index
    tpu.barrier barrier_id(%barrier3A)
    %run_scoped3A = arith.constant 0 : i32
    %run_scoped3A_7 = arith.constant 0 : i32
    "tpu.region"() ({
      %run_scoped3A_263 = tpu.sem_alloc : memref<!tpu.dma_semaphore, #tpu.memory_space<semaphore_mem>>
      %dma_start3A_264 = arith.constant 0 : i32
      %dma_start3A_265 = arith.constant 0 : i32
      %dma_start3A_266 = tpu.memref_slice %arg6[%run_scoped3A_7, %dma_start3A_264, %dma_start3A_265] : memref<2x25x32xi32, #tpu.memory_space<vmem>> -> memref<1x25x32xi32, #tpu.memory_space<vmem>>
      %dma_start3A_267 = tpu.memref_squeeze %dma_start3A_266 : memref<1x25x32xi32, #tpu.memory_space<vmem>> -> memref<25x32xi32, #tpu.memory_space<vmem>>
      %dma_start3A_268 = arith.constant 0 : i32
      %dma_start3A_269 = arith.constant 0 : i32
      %dma_start3A_270 = tpu.memref_slice %arg3[%add3A, %run_scoped3A, %dma_start3A_268, %dma_start3A_269] : memref<32x25x25x32xi32, #tpu.memory_space<hbm>> -> memref<1x1x25x32xi32, #tpu.memory_space<hbm>>
      %dma_start3A_271 = tpu.memref_squeeze %dma_start3A_270 : memref<1x1x25x32xi32, #tpu.memory_space<hbm>> -> memref<25x32xi32, #tpu.memory_space<hbm>>
      %dma_start3A_272 = arith.constant 0 : i32
      %dma_start3A_273 = arith.constant 0 : i32
      %dma_start3A_274 = tpu.memref_slice %arg6[%run_scoped3A_7, %dma_start3A_272, %dma_start3A_273] : memref<2x25x32xi32, #tpu.memory_space<vmem>> -> memref<1x25x32xi32, #tpu.memory_space<vmem>>
      %dma_start3A_275 = tpu.memref_squeeze %dma_start3A_274 : memref<1x25x32xi32, #tpu.memory_space<vmem>> -> memref<25x32xi32, #tpu.memory_space<vmem>>
      %dma_start3A_276 = arith.constant 0 : i32
      %dma_start3A_277 = arith.constant 0 : i32
      %dma_start3A_278 = tpu.memref_slice %arg3[%add3A, %run_scoped3A, %dma_start3A_276, %dma_start3A_277] : memref<32x25x25x32xi32, #tpu.memory_space<hbm>> -> memref<1x1x25x32xi32, #tpu.memory_space<hbm>>
      %dma_start3A_279 = tpu.memref_squeeze %dma_start3A_278 : memref<1x1x25x32xi32, #tpu.memory_space<hbm>> -> memref<25x32xi32, #tpu.memory_space<hbm>>
      tpu.enqueue_dma source(%dma_start3A_279 : memref<25x32xi32, #tpu.memory_space<hbm>>) target(%dma_start3A_275 : memref<25x32xi32, #tpu.memory_space<vmem>>) target_semaphore(%run_scoped3A_263 : memref<!tpu.dma_semaphore, #tpu.memory_space<semaphore_mem>>)
      %dma_wait3A_280 = arith.constant 0 : i32
      %dma_wait3A_281 = arith.constant 0 : i32
      %dma_wait3A_282 = tpu.memref_slice %arg6[%run_scoped3A_7, %dma_wait3A_280, %dma_wait3A_281] : memref<2x25x32xi32, #tpu.memory_space<vmem>> -> memref<1x25x32xi32, #tpu.memory_space<vmem>>
      %dma_wait3A_283 = tpu.memref_squeeze %dma_wait3A_282 : memref<1x25x32xi32, #tpu.memory_space<vmem>> -> memref<25x32xi32, #tpu.memory_space<vmem>>
      %dma_wait3A_284 = arith.constant 0 : i32
      %dma_wait3A_285 = arith.constant 0 : i32
      %dma_wait3A_286 = tpu.memref_slice %arg3[%add3A, %run_scoped3A, %dma_wait3A_284, %dma_wait3A_285] : memref<32x25x25x32xi32, #tpu.memory_space<hbm>> -> memref<1x1x25x32xi32, #tpu.memory_space<hbm>>
      %dma_wait3A_287 = tpu.memref_squeeze %dma_wait3A_286 : memref<1x1x25x32xi32, #tpu.memory_space<hbm>> -> memref<25x32xi32, #tpu.memory_space<hbm>>
      %dma_wait3A_288 = arith.constant 0 : i32
      %dma_wait3A_289 = arith.constant 0 : i32
      %dma_wait3A_290 = tpu.memref_slice %arg6[%run_scoped3A_7, %dma_wait3A_288, %dma_wait3A_289] : memref<2x25x32xi32, #tpu.memory_space<vmem>> -> memref<1x25x32xi32, #tpu.memory_space<vmem>>
      %dma_wait3A_291 = tpu.memref_squeeze %dma_wait3A_290 : memref<1x25x32xi32, #tpu.memory_space<vmem>> -> memref<25x32xi32, #tpu.memory_space<vmem>>
      %dma_wait3A_292 = arith.constant 0 : i32
      %dma_wait3A_293 = arith.constant 0 : i32
      %dma_wait3A_294 = tpu.memref_slice %arg3[%add3A, %run_scoped3A, %dma_wait3A_292, %dma_wait3A_293] : memref<32x25x25x32xi32, #tpu.memory_space<hbm>> -> memref<1x1x25x32xi32, #tpu.memory_space<hbm>>
      %dma_wait3A_295 = tpu.memref_squeeze %dma_wait3A_294 : memref<1x1x25x32xi32, #tpu.memory_space<hbm>> -> memref<25x32xi32, #tpu.memory_space<hbm>>
      tpu.wait_dma2 semaphore(%run_scoped3A_263 : memref<!tpu.dma_semaphore, #tpu.memory_space<semaphore_mem>>) src(%dma_wait3A_295 : memref<25x32xi32, #tpu.memory_space<hbm>>) dst(%dma_wait3A_291 : memref<25x32xi32, #tpu.memory_space<vmem>>)
      tpu.yield
    }) : () -> ()
    %run_scoped3A_8 = arith.constant 0 : i32
    %run_scoped3A_9 = arith.constant 0 : i32
    "tpu.region"() ({
      %run_scoped3A_263 = tpu.sem_alloc : memref<!tpu.dma_semaphore, #tpu.memory_space<semaphore_mem>>
      %dma_start3A_264 = arith.constant 0 : i32
      %dma_start3A_265 = arith.constant 0 : i32
      %dma_start3A_266 = tpu.memref_slice %arg7[%run_scoped3A_9, %dma_start3A_264, %dma_start3A_265] : memref<2x25x32xi32, #tpu.memory_space<vmem>> -> memref<1x25x32xi32, #tpu.memory_space<vmem>>
      %dma_start3A_267 = tpu.memref_squeeze %dma_start3A_266 : memref<1x25x32xi32, #tpu.memory_space<vmem>> -> memref<25x32xi32, #tpu.memory_space<vmem>>
      %dma_start3A_268 = arith.constant 0 : i32
      %dma_start3A_269 = arith.constant 0 : i32
      %dma_start3A_270 = tpu.memref_slice %arg4[%add3A, %run_scoped3A_8, %dma_start3A_268, %dma_start3A_269] : memref<32x25x25x32xi32, #tpu.memory_space<hbm>> -> memref<1x1x25x32xi32, #tpu.memory_space<hbm>>
      %dma_start3A_271 = tpu.memref_squeeze %dma_start3A_270 : memref<1x1x25x32xi32, #tpu.memory_space<hbm>> -> memref<25x32xi32, #tpu.memory_space<hbm>>
      %dma_start3A_272 = arith.constant 0 : i32
      %dma_start3A_273 = arith.constant 0 : i32
      %dma_start3A_274 = tpu.memref_slice %arg7[%run_scoped3A_9, %dma_start3A_272, %dma_start3A_273] : memref<2x25x32xi32, #tpu.memory_space<vmem>> -> memref<1x25x32xi32, #tpu.memory_space<vmem>>
      %dma_start3A_275 = tpu.memref_squeeze %dma_start3A_274 : memref<1x25x32xi32, #tpu.memory_space<vmem>> -> memref<25x32xi32, #tpu.memory_space<vmem>>
      %dma_start3A_276 = arith.constant 0 : i32
      %dma_start3A_277 = arith.constant 0 : i32
      %dma_start3A_278 = tpu.memref_slice %arg4[%add3A, %run_scoped3A_8, %dma_start3A_276, %dma_start3A_277] : memref<32x25x25x32xi32, #tpu.memory_space<hbm>> -> memref<1x1x25x32xi32, #tpu.memory_space<hbm>>
      %dma_start3A_279 = tpu.memref_squeeze %dma_start3A_278 : memref<1x1x25x32xi32, #tpu.memory_space<hbm>> -> memref<25x32xi32, #tpu.memory_space<hbm>>
      tpu.enqueue_dma source(%dma_start3A_279 : memref<25x32xi32, #tpu.memory_space<hbm>>) target(%dma_start3A_275 : memref<25x32xi32, #tpu.memory_space<vmem>>) target_semaphore(%run_scoped3A_263 : memref<!tpu.dma_semaphore, #tpu.memory_space<semaphore_mem>>)
      %dma_wait3A_280 = arith.constant 0 : i32
      %dma_wait3A_281 = arith.constant 0 : i32
      %dma_wait3A_282 = tpu.memref_slice %arg7[%run_scoped3A_9, %dma_wait3A_280, %dma_wait3A_281] : memref<2x25x32xi32, #tpu.memory_space<vmem>> -> memref<1x25x32xi32, #tpu.memory_space<vmem>>
      %dma_wait3A_283 = tpu.memref_squeeze %dma_wait3A_282 : memref<1x25x32xi32, #tpu.memory_space<vmem>> -> memref<25x32xi32, #tpu.memory_space<vmem>>
      %dma_wait3A_284 = arith.constant 0 : i32
      %dma_wait3A_285 = arith.constant 0 : i32
      %dma_wait3A_286 = tpu.memref_slice %arg4[%add3A, %run_scoped3A_8, %dma_wait3A_284, %dma_wait3A_285] : memref<32x25x25x32xi32, #tpu.memory_space<hbm>> -> memref<1x1x25x32xi32, #tpu.memory_space<hbm>>
      %dma_wait3A_287 = tpu.memref_squeeze %dma_wait3A_286 : memref<1x1x25x32xi32, #tpu.memory_space<hbm>> -> memref<25x32xi32, #tpu.memory_space<hbm>>
      %dma_wait3A_288 = arith.constant 0 : i32
      %dma_wait3A_289 = arith.constant 0 : i32
      %dma_wait3A_290 = tpu.memref_slice %arg7[%run_scoped3A_9, %dma_wait3A_288, %dma_wait3A_289] : memref<2x25x32xi32, #tpu.memory_space<vmem>> -> memref<1x25x32xi32, #tpu.memory_space<vmem>>
      %dma_wait3A_291 = tpu.memref_squeeze %dma_wait3A_290 : memref<1x25x32xi32, #tpu.memory_space<vmem>> -> memref<25x32xi32, #tpu.memory_space<vmem>>
      %dma_wait3A_292 = arith.constant 0 : i32
      %dma_wait3A_293 = arith.constant 0 : i32
      %dma_wait3A_294 = tpu.memref_slice %arg4[%add3A, %run_scoped3A_8, %dma_wait3A_292, %dma_wait3A_293] : memref<32x25x25x32xi32, #tpu.memory_space<hbm>> -> memref<1x1x25x32xi32, #tpu.memory_space<hbm>>
      %dma_wait3A_295 = tpu.memref_squeeze %dma_wait3A_294 : memref<1x1x25x32xi32, #tpu.memory_space<hbm>> -> memref<25x32xi32, #tpu.memory_space<hbm>>
      tpu.wait_dma2 semaphore(%run_scoped3A_263 : memref<!tpu.dma_semaphore, #tpu.memory_space<semaphore_mem>>) src(%dma_wait3A_295 : memref<25x32xi32, #tpu.memory_space<hbm>>) dst(%dma_wait3A_291 : memref<25x32xi32, #tpu.memory_space<vmem>>)
      tpu.yield
    }) : () -> ()
    %dma_start3A = arith.constant 0 : i32
    %dma_start3A_10 = arith.constant 0 : i32
    %dma_start3A_11 = arith.constant 0 : i32
    %dma_start3A_12 = arith.constant 0 : i32
    %dma_start3A_13 = arith.constant 0 : i32
    %dma_start3A_14 = arith.constant 0 : i32
    %dma_start3A_15 = tpu.memref_slice %arg8[%dma_start3A_11, %dma_start3A_13, %dma_start3A_14] : memref<8x32x128xf32, #tpu.memory_space<vmem>> -> memref<1x32x128xf32, #tpu.memory_space<vmem>>
    %dma_start3A_16 = tpu.memref_squeeze %dma_start3A_15 : memref<1x32x128xf32, #tpu.memory_space<vmem>> -> memref<32x128xf32, #tpu.memory_space<vmem>>
    %dma_start3A_17 = arith.constant 0 : i32
    %dma_start3A_18 = tpu.memref_slice %arg6[%dma_start3A, %dma_start3A_10, %dma_start3A_17] : memref<2x25x32xi32, #tpu.memory_space<vmem>> -> memref<1x1x32xi32, #tpu.memory_space<vmem>>
    %dma_start3A_19 = tpu.memref_squeeze %dma_start3A_18 : memref<1x1x32xi32, #tpu.memory_space<vmem>> -> memref<32xi32, #tpu.memory_space<vmem>>
    %dma_start3A_20 = arith.constant 0 : i32
    %dma_start3A_21 = arith.constant 0 : i32
    %dma_start3A_22 = tpu.memref_slice %arg2[%dma_start3A_20, %dma_start3A_21] : memref<10000x128xf32, #tpu.memory_space<hbm>> -> memref<10000x128xf32, #tpu.memory_space<hbm>>
    %dma_start3A_23 = tpu.memref_slice %arg10[%dma_start3A_12] : memref<8x!tpu.dma_semaphore, #tpu.memory_space<semaphore_mem>> -> memref<1x!tpu.dma_semaphore, #tpu.memory_space<semaphore_mem>>
    %dma_start3A_24 = tpu.memref_squeeze %dma_start3A_23 : memref<1x!tpu.dma_semaphore, #tpu.memory_space<semaphore_mem>> -> memref<!tpu.dma_semaphore, #tpu.memory_space<semaphore_mem>>
    tpu.enqueue_indirect_dma source(%dma_start3A_22 : memref<10000x128xf32, #tpu.memory_space<hbm>>) target(%dma_start3A_16 : memref<32x128xf32, #tpu.memory_space<vmem>>) offsets(%dma_start3A_19 : memref<32xi32, #tpu.memory_space<vmem>>) semaphore(%dma_start3A_24 : memref<!tpu.dma_semaphore, #tpu.memory_space<semaphore_mem>>)
    %dma_start3A_25 = arith.constant 0 : i32
    %dma_start3A_26 = arith.constant 1 : i32
    %dma_start3A_27 = arith.constant 1 : i32
    %dma_start3A_28 = arith.constant 1 : i32
    %dma_start3A_29 = arith.constant 0 : i32
    %dma_start3A_30 = arith.constant 0 : i32
    %dma_start3A_31 = tpu.memref_slice %arg8[%dma_start3A_27, %dma_start3A_29, %dma_start3A_30] : memref<8x32x128xf32, #tpu.memory_space<vmem>> -> memref<1x32x128xf32, #tpu.memory_space<vmem>>
    %dma_start3A_32 = tpu.memref_squeeze %dma_start3A_31 : memref<1x32x128xf32, #tpu.memory_space<vmem>> -> memref<32x128xf32, #tpu.memory_space<vmem>>
    %dma_start3A_33 = arith.constant 0 : i32
    %dma_start3A_34 = tpu.memref_slice %arg6[%dma_start3A_25, %dma_start3A_26, %dma_start3A_33] : memref<2x25x32xi32, #tpu.memory_space<vmem>> -> memref<1x1x32xi32, #tpu.memory_space<vmem>>
    %dma_start3A_35 = tpu.memref_squeeze %dma_start3A_34 : memref<1x1x32xi32, #tpu.memory_space<vmem>> -> memref<32xi32, #tpu.memory_space<vmem>>
    %dma_start3A_36 = arith.constant 0 : i32
    %dma_start3A_37 = arith.constant 0 : i32
    %dma_start3A_38 = tpu.memref_slice %arg2[%dma_start3A_36, %dma_start3A_37] : memref<10000x128xf32, #tpu.memory_space<hbm>> -> memref<10000x128xf32, #tpu.memory_space<hbm>>
    %dma_start3A_39 = tpu.memref_slice %arg10[%dma_start3A_28] : memref<8x!tpu.dma_semaphore, #tpu.memory_space<semaphore_mem>> -> memref<1x!tpu.dma_semaphore, #tpu.memory_space<semaphore_mem>>
    %dma_start3A_40 = tpu.memref_squeeze %dma_start3A_39 : memref<1x!tpu.dma_semaphore, #tpu.memory_space<semaphore_mem>> -> memref<!tpu.dma_semaphore, #tpu.memory_space<semaphore_mem>>
    tpu.enqueue_indirect_dma source(%dma_start3A_38 : memref<10000x128xf32, #tpu.memory_space<hbm>>) target(%dma_start3A_32 : memref<32x128xf32, #tpu.memory_space<vmem>>) offsets(%dma_start3A_35 : memref<32xi32, #tpu.memory_space<vmem>>) semaphore(%dma_start3A_40 : memref<!tpu.dma_semaphore, #tpu.memory_space<semaphore_mem>>)
    %dma_start3A_41 = arith.constant 0 : i32
    %dma_start3A_42 = arith.constant 2 : i32
    %dma_start3A_43 = arith.constant 2 : i32
    %dma_start3A_44 = arith.constant 2 : i32
    %dma_start3A_45 = arith.constant 0 : i32
    %dma_start3A_46 = arith.constant 0 : i32
    %dma_start3A_47 = tpu.memref_slice %arg8[%dma_start3A_43, %dma_start3A_45, %dma_start3A_46] : memref<8x32x128xf32, #tpu.memory_space<vmem>> -> memref<1x32x128xf32, #tpu.memory_space<vmem>>
    %dma_start3A_48 = tpu.memref_squeeze %dma_start3A_47 : memref<1x32x128xf32, #tpu.memory_space<vmem>> -> memref<32x128xf32, #tpu.memory_space<vmem>>
    %dma_start3A_49 = arith.constant 0 : i32
    %dma_start3A_50 = tpu.memref_slice %arg6[%dma_start3A_41, %dma_start3A_42, %dma_start3A_49] : memref<2x25x32xi32, #tpu.memory_space<vmem>> -> memref<1x1x32xi32, #tpu.memory_space<vmem>>
    %dma_start3A_51 = tpu.memref_squeeze %dma_start3A_50 : memref<1x1x32xi32, #tpu.memory_space<vmem>> -> memref<32xi32, #tpu.memory_space<vmem>>
    %dma_start3A_52 = arith.constant 0 : i32
    %dma_start3A_53 = arith.constant 0 : i32
    %dma_start3A_54 = tpu.memref_slice %arg2[%dma_start3A_52, %dma_start3A_53] : memref<10000x128xf32, #tpu.memory_space<hbm>> -> memref<10000x128xf32, #tpu.memory_space<hbm>>
    %dma_start3A_55 = tpu.memref_slice %arg10[%dma_start3A_44] : memref<8x!tpu.dma_semaphore, #tpu.memory_space<semaphore_mem>> -> memref<1x!tpu.dma_semaphore, #tpu.memory_space<semaphore_mem>>
    %dma_start3A_56 = tpu.memref_squeeze %dma_start3A_55 : memref<1x!tpu.dma_semaphore, #tpu.memory_space<semaphore_mem>> -> memref<!tpu.dma_semaphore, #tpu.memory_space<semaphore_mem>>
    tpu.enqueue_indirect_dma source(%dma_start3A_54 : memref<10000x128xf32, #tpu.memory_space<hbm>>) target(%dma_start3A_48 : memref<32x128xf32, #tpu.memory_space<vmem>>) offsets(%dma_start3A_51 : memref<32xi32, #tpu.memory_space<vmem>>) semaphore(%dma_start3A_56 : memref<!tpu.dma_semaphore, #tpu.memory_space<semaphore_mem>>)
    %dma_start3A_57 = arith.constant 0 : i32
    %dma_start3A_58 = arith.constant 3 : i32
    %dma_start3A_59 = arith.constant 3 : i32
    %dma_start3A_60 = arith.constant 3 : i32
    %dma_start3A_61 = arith.constant 0 : i32
    %dma_start3A_62 = arith.constant 0 : i32
    %dma_start3A_63 = tpu.memref_slice %arg8[%dma_start3A_59, %dma_start3A_61, %dma_start3A_62] : memref<8x32x128xf32, #tpu.memory_space<vmem>> -> memref<1x32x128xf32, #tpu.memory_space<vmem>>
    %dma_start3A_64 = tpu.memref_squeeze %dma_start3A_63 : memref<1x32x128xf32, #tpu.memory_space<vmem>> -> memref<32x128xf32, #tpu.memory_space<vmem>>
    %dma_start3A_65 = arith.constant 0 : i32
    %dma_start3A_66 = tpu.memref_slice %arg6[%dma_start3A_57, %dma_start3A_58, %dma_start3A_65] : memref<2x25x32xi32, #tpu.memory_space<vmem>> -> memref<1x1x32xi32, #tpu.memory_space<vmem>>
    %dma_start3A_67 = tpu.memref_squeeze %dma_start3A_66 : memref<1x1x32xi32, #tpu.memory_space<vmem>> -> memref<32xi32, #tpu.memory_space<vmem>>
    %dma_start3A_68 = arith.constant 0 : i32
    %dma_start3A_69 = arith.constant 0 : i32
    %dma_start3A_70 = tpu.memref_slice %arg2[%dma_start3A_68, %dma_start3A_69] : memref<10000x128xf32, #tpu.memory_space<hbm>> -> memref<10000x128xf32, #tpu.memory_space<hbm>>
    %dma_start3A_71 = tpu.memref_slice %arg10[%dma_start3A_60] : memref<8x!tpu.dma_semaphore, #tpu.memory_space<semaphore_mem>> -> memref<1x!tpu.dma_semaphore, #tpu.memory_space<semaphore_mem>>
    %dma_start3A_72 = tpu.memref_squeeze %dma_start3A_71 : memref<1x!tpu.dma_semaphore, #tpu.memory_space<semaphore_mem>> -> memref<!tpu.dma_semaphore, #tpu.memory_space<semaphore_mem>>
    tpu.enqueue_indirect_dma source(%dma_start3A_70 : memref<10000x128xf32, #tpu.memory_space<hbm>>) target(%dma_start3A_64 : memref<32x128xf32, #tpu.memory_space<vmem>>) offsets(%dma_start3A_67 : memref<32xi32, #tpu.memory_space<vmem>>) semaphore(%dma_start3A_72 : memref<!tpu.dma_semaphore, #tpu.memory_space<semaphore_mem>>)
    %dma_start3A_73 = arith.constant 0 : i32
    %dma_start3A_74 = arith.constant 4 : i32
    %dma_start3A_75 = arith.constant 4 : i32
    %dma_start3A_76 = arith.constant 4 : i32
    %dma_start3A_77 = arith.constant 0 : i32
    %dma_start3A_78 = arith.constant 0 : i32
    %dma_start3A_79 = tpu.memref_slice %arg8[%dma_start3A_75, %dma_start3A_77, %dma_start3A_78] : memref<8x32x128xf32, #tpu.memory_space<vmem>> -> memref<1x32x128xf32, #tpu.memory_space<vmem>>
    %dma_start3A_80 = tpu.memref_squeeze %dma_start3A_79 : memref<1x32x128xf32, #tpu.memory_space<vmem>> -> memref<32x128xf32, #tpu.memory_space<vmem>>
    %dma_start3A_81 = arith.constant 0 : i32
    %dma_start3A_82 = tpu.memref_slice %arg6[%dma_start3A_73, %dma_start3A_74, %dma_start3A_81] : memref<2x25x32xi32, #tpu.memory_space<vmem>> -> memref<1x1x32xi32, #tpu.memory_space<vmem>>
    %dma_start3A_83 = tpu.memref_squeeze %dma_start3A_82 : memref<1x1x32xi32, #tpu.memory_space<vmem>> -> memref<32xi32, #tpu.memory_space<vmem>>
    %dma_start3A_84 = arith.constant 0 : i32
    %dma_start3A_85 = arith.constant 0 : i32
    %dma_start3A_86 = tpu.memref_slice %arg2[%dma_start3A_84, %dma_start3A_85] : memref<10000x128xf32, #tpu.memory_space<hbm>> -> memref<10000x128xf32, #tpu.memory_space<hbm>>
    %dma_start3A_87 = tpu.memref_slice %arg10[%dma_start3A_76] : memref<8x!tpu.dma_semaphore, #tpu.memory_space<semaphore_mem>> -> memref<1x!tpu.dma_semaphore, #tpu.memory_space<semaphore_mem>>
    %dma_start3A_88 = tpu.memref_squeeze %dma_start3A_87 : memref<1x!tpu.dma_semaphore, #tpu.memory_space<semaphore_mem>> -> memref<!tpu.dma_semaphore, #tpu.memory_space<semaphore_mem>>
    tpu.enqueue_indirect_dma source(%dma_start3A_86 : memref<10000x128xf32, #tpu.memory_space<hbm>>) target(%dma_start3A_80 : memref<32x128xf32, #tpu.memory_space<vmem>>) offsets(%dma_start3A_83 : memref<32xi32, #tpu.memory_space<vmem>>) semaphore(%dma_start3A_88 : memref<!tpu.dma_semaphore, #tpu.memory_space<semaphore_mem>>)
    %dma_start3A_89 = arith.constant 0 : i32
    %dma_start3A_90 = arith.constant 5 : i32
    %dma_start3A_91 = arith.constant 5 : i32
    %dma_start3A_92 = arith.constant 5 : i32
    %dma_start3A_93 = arith.constant 0 : i32
    %dma_start3A_94 = arith.constant 0 : i32
    %dma_start3A_95 = tpu.memref_slice %arg8[%dma_start3A_91, %dma_start3A_93, %dma_start3A_94] : memref<8x32x128xf32, #tpu.memory_space<vmem>> -> memref<1x32x128xf32, #tpu.memory_space<vmem>>
    %dma_start3A_96 = tpu.memref_squeeze %dma_start3A_95 : memref<1x32x128xf32, #tpu.memory_space<vmem>> -> memref<32x128xf32, #tpu.memory_space<vmem>>
    %dma_start3A_97 = arith.constant 0 : i32
    %dma_start3A_98 = tpu.memref_slice %arg6[%dma_start3A_89, %dma_start3A_90, %dma_start3A_97] : memref<2x25x32xi32, #tpu.memory_space<vmem>> -> memref<1x1x32xi32, #tpu.memory_space<vmem>>
    %dma_start3A_99 = tpu.memref_squeeze %dma_start3A_98 : memref<1x1x32xi32, #tpu.memory_space<vmem>> -> memref<32xi32, #tpu.memory_space<vmem>>
    %dma_start3A_100 = arith.constant 0 : i32
    %dma_start3A_101 = arith.constant 0 : i32
    %dma_start3A_102 = tpu.memref_slice %arg2[%dma_start3A_100, %dma_start3A_101] : memref<10000x128xf32, #tpu.memory_space<hbm>> -> memref<10000x128xf32, #tpu.memory_space<hbm>>
    %dma_start3A_103 = tpu.memref_slice %arg10[%dma_start3A_92] : memref<8x!tpu.dma_semaphore, #tpu.memory_space<semaphore_mem>> -> memref<1x!tpu.dma_semaphore, #tpu.memory_space<semaphore_mem>>
    %dma_start3A_104 = tpu.memref_squeeze %dma_start3A_103 : memref<1x!tpu.dma_semaphore, #tpu.memory_space<semaphore_mem>> -> memref<!tpu.dma_semaphore, #tpu.memory_space<semaphore_mem>>
    tpu.enqueue_indirect_dma source(%dma_start3A_102 : memref<10000x128xf32, #tpu.memory_space<hbm>>) target(%dma_start3A_96 : memref<32x128xf32, #tpu.memory_space<vmem>>) offsets(%dma_start3A_99 : memref<32xi32, #tpu.memory_space<vmem>>) semaphore(%dma_start3A_104 : memref<!tpu.dma_semaphore, #tpu.memory_space<semaphore_mem>>)
    %dma_start3A_105 = arith.constant 0 : i32
    %dma_start3A_106 = arith.constant 6 : i32
    %dma_start3A_107 = arith.constant 6 : i32
    %dma_start3A_108 = arith.constant 6 : i32
    %dma_start3A_109 = arith.constant 0 : i32
    %dma_start3A_110 = arith.constant 0 : i32
    %dma_start3A_111 = tpu.memref_slice %arg8[%dma_start3A_107, %dma_start3A_109, %dma_start3A_110] : memref<8x32x128xf32, #tpu.memory_space<vmem>> -> memref<1x32x128xf32, #tpu.memory_space<vmem>>
    %dma_start3A_112 = tpu.memref_squeeze %dma_start3A_111 : memref<1x32x128xf32, #tpu.memory_space<vmem>> -> memref<32x128xf32, #tpu.memory_space<vmem>>
    %dma_start3A_113 = arith.constant 0 : i32
    %dma_start3A_114 = tpu.memref_slice %arg6[%dma_start3A_105, %dma_start3A_106, %dma_start3A_113] : memref<2x25x32xi32, #tpu.memory_space<vmem>> -> memref<1x1x32xi32, #tpu.memory_space<vmem>>
    %dma_start3A_115 = tpu.memref_squeeze %dma_start3A_114 : memref<1x1x32xi32, #tpu.memory_space<vmem>> -> memref<32xi32, #tpu.memory_space<vmem>>
    %dma_start3A_116 = arith.constant 0 : i32
    %dma_start3A_117 = arith.constant 0 : i32
    %dma_start3A_118 = tpu.memref_slice %arg2[%dma_start3A_116, %dma_start3A_117] : memref<10000x128xf32, #tpu.memory_space<hbm>> -> memref<10000x128xf32, #tpu.memory_space<hbm>>
    %dma_start3A_119 = tpu.memref_slice %arg10[%dma_start3A_108] : memref<8x!tpu.dma_semaphore, #tpu.memory_space<semaphore_mem>> -> memref<1x!tpu.dma_semaphore, #tpu.memory_space<semaphore_mem>>
    %dma_start3A_120 = tpu.memref_squeeze %dma_start3A_119 : memref<1x!tpu.dma_semaphore, #tpu.memory_space<semaphore_mem>> -> memref<!tpu.dma_semaphore, #tpu.memory_space<semaphore_mem>>
    tpu.enqueue_indirect_dma source(%dma_start3A_118 : memref<10000x128xf32, #tpu.memory_space<hbm>>) target(%dma_start3A_112 : memref<32x128xf32, #tpu.memory_space<vmem>>) offsets(%dma_start3A_115 : memref<32xi32, #tpu.memory_space<vmem>>) semaphore(%dma_start3A_120 : memref<!tpu.dma_semaphore, #tpu.memory_space<semaphore_mem>>)
    %scan3A = arith.constant 0 : i32
    %scan3A_121 = arith.constant 0 : i32
    %scan3A_122 = arith.constant 625 : i32
    %scan3A_123 = arith.addi %scan3A_121, %scan3A_122 : i32
    %scan3A_124 = arith.constant 1 : i32
    scf.for %scan3A_263 = %scan3A_121 to %scan3A_123 step %scan3A_124  : i32 {
      %jit3A = arith.constant 8 : i32
      %eq3A_264 = arith.constant 0 : i32
      %eq3A_265 = arith.cmpi eq, %jit3A, %eq3A_264 : i32
      %jit3A_266 = arith.constant 1 : i32
      %select_n3A = arith.select %eq3A_265, %jit3A_266, %jit3A : i32
      %rem3A = arith.remsi %scan3A_263, %select_n3A : i32
      %ne3A = arith.constant 0 : i32
      %ne3A_267 = arith.cmpi ne, %rem3A, %ne3A : i32
      %lt3A = arith.constant 0 : i32
      %lt3A_268 = arith.cmpi slt, %rem3A, %lt3A : i32
      %lt3A_269 = arith.constant 0 : i32
      %lt3A_270 = arith.cmpi slt, %select_n3A, %lt3A_269 : i32
      %ne3A_271 = arith.xori %lt3A_268, %lt3A_270 : i1
      %and3A = arith.andi %ne3A_271, %ne3A_267 : i1
      %add3A_272 = arith.addi %rem3A, %select_n3A : i32
      %select_n3A_273 = arith.select %and3A, %add3A_272, %rem3A : i32
      %jit3A_274 = arith.constant 25 : i32
      %div3A = arith.divsi %scan3A_263, %jit3A_274 : i32
      %sign3A = arith.constant 0 : i32
      %sign3A_275 = arith.cmpi sgt, %scan3A_263, %sign3A : i32
      %sign3A_276 = arith.extui %sign3A_275 : i1 to i32
      %sign3A_277 = arith.constant 0 : i32
      %sign3A_278 = arith.cmpi slt, %scan3A_263, %sign3A_277 : i32
      %sign3A_279 = arith.extui %sign3A_278 : i1 to i32
      %sign3A_280 = arith.subi %sign3A_276, %sign3A_279 : i32
      %sign3A_281 = arith.constant 0 : i32
      %sign3A_282 = arith.cmpi sgt, %jit3A_274, %sign3A_281 : i32
      %sign3A_283 = arith.extui %sign3A_282 : i1 to i32
      %sign3A_284 = arith.constant 0 : i32
      %sign3A_285 = arith.cmpi slt, %jit3A_274, %sign3A_284 : i32
      %sign3A_286 = arith.extui %sign3A_285 : i1 to i32
      %sign3A_287 = arith.subi %sign3A_283, %sign3A_286 : i32
      %ne3A_288 = arith.cmpi ne, %sign3A_280, %sign3A_287 : i32
      %rem3A_289 = arith.remsi %scan3A_263, %jit3A_274 : i32
      %ne3A_290 = arith.constant 0 : i32
      %ne3A_291 = arith.cmpi ne, %rem3A_289, %ne3A_290 : i32
      %and3A_292 = arith.andi %ne3A_288, %ne3A_291 : i1
      %sub3A = arith.constant 1 : i32
      %sub3A_293 = arith.subi %div3A, %sub3A : i32
      %select_n3A_294 = arith.select %and3A_292, %sub3A_293, %div3A : i32
      %jit3A_295 = arith.constant 25 : i32
      %eq3A_296 = arith.constant 0 : i32
      %eq3A_297 = arith.cmpi eq, %jit3A_295, %eq3A_296 : i32
      %jit3A_298 = arith.constant 1 : i32
      %select_n3A_299 = arith.select %eq3A_297, %jit3A_298, %jit3A_295 : i32
      %rem3A_300 = arith.remsi %scan3A_263, %select_n3A_299 : i32
      %ne3A_301 = arith.constant 0 : i32
      %ne3A_302 = arith.cmpi ne, %rem3A_300, %ne3A_301 : i32
      %lt3A_303 = arith.constant 0 : i32
      %lt3A_304 = arith.cmpi slt, %rem3A_300, %lt3A_303 : i32
      %lt3A_305 = arith.constant 0 : i32
      %lt3A_306 = arith.cmpi slt, %select_n3A_299, %lt3A_305 : i32
      %ne3A_307 = arith.xori %lt3A_304, %lt3A_306 : i1
      %and3A_308 = arith.andi %ne3A_307, %ne3A_302 : i1
      %add3A_309 = arith.addi %rem3A_300, %select_n3A_299 : i32
      %select_n3A_310 = arith.select %and3A_308, %add3A_309, %rem3A_300 : i32
      %jit3A_311 = arith.constant 2 : i32
      %eq3A_312 = arith.constant 0 : i32
      %eq3A_313 = arith.cmpi eq, %jit3A_311, %eq3A_312 : i32
      %jit3A_314 = arith.constant 1 : i32
      %select_n3A_315 = arith.select %eq3A_313, %jit3A_314, %jit3A_311 : i32
      %rem3A_316 = arith.remsi %select_n3A_294, %select_n3A_315 : i32
      %ne3A_317 = arith.constant 0 : i32
      %ne3A_318 = arith.cmpi ne, %rem3A_316, %ne3A_317 : i32
      %lt3A_319 = arith.constant 0 : i32
      %lt3A_320 = arith.cmpi slt, %rem3A_316, %lt3A_319 : i32
      %lt3A_321 = arith.constant 0 : i32
      %lt3A_322 = arith.cmpi slt, %select_n3A_315, %lt3A_321 : i32
      %ne3A_323 = arith.xori %lt3A_320, %lt3A_322 : i1
      %and3A_324 = arith.andi %ne3A_323, %ne3A_318 : i1
      %add3A_325 = arith.addi %rem3A_316, %select_n3A_315 : i32
      %select_n3A_326 = arith.select %and3A_324, %add3A_325, %rem3A_316 : i32
      %add3A_327 = arith.constant 8 : i32
      %add3A_328 = arith.addi %scan3A_263, %add3A_327 : i32
      %sub3A_329 = arith.constant 1 : i32
      %sub3A_330 = arith.subi %add3A_328, %sub3A_329 : i32
      %jit3A_331 = arith.constant 8 : i32
      %eq3A_332 = arith.constant 0 : i32
      %eq3A_333 = arith.cmpi eq, %jit3A_331, %eq3A_332 : i32
      %jit3A_334 = arith.constant 1 : i32
      %select_n3A_335 = arith.select %eq3A_333, %jit3A_334, %jit3A_331 : i32
      %rem3A_336 = arith.remsi %sub3A_330, %select_n3A_335 : i32
      %ne3A_337 = arith.constant 0 : i32
      %ne3A_338 = arith.cmpi ne, %rem3A_336, %ne3A_337 : i32
      %lt3A_339 = arith.constant 0 : i32
      %lt3A_340 = arith.cmpi slt, %rem3A_336, %lt3A_339 : i32
      %lt3A_341 = arith.constant 0 : i32
      %lt3A_342 = arith.cmpi slt, %select_n3A_335, %lt3A_341 : i32
      %ne3A_343 = arith.xori %lt3A_340, %lt3A_342 : i1
      %and3A_344 = arith.andi %ne3A_343, %ne3A_338 : i1
      %add3A_345 = arith.addi %rem3A_336, %select_n3A_335 : i32
      %select_n3A_346 = arith.select %and3A_344, %add3A_345, %rem3A_336 : i32
      %jit3A_347 = arith.constant 25 : i32
      %div3A_348 = arith.divsi %sub3A_330, %jit3A_347 : i32
      %sign3A_349 = arith.constant 0 : i32
      %sign3A_350 = arith.cmpi sgt, %sub3A_330, %sign3A_349 : i32
      %sign3A_351 = arith.extui %sign3A_350 : i1 to i32
      %sign3A_352 = arith.constant 0 : i32
      %sign3A_353 = arith.cmpi slt, %sub3A_330, %sign3A_352 : i32
      %sign3A_354 = arith.extui %sign3A_353 : i1 to i32
      %sign3A_355 = arith.subi %sign3A_351, %sign3A_354 : i32
      %sign3A_356 = arith.constant 0 : i32
      %sign3A_357 = arith.cmpi sgt, %jit3A_347, %sign3A_356 : i32
      %sign3A_358 = arith.extui %sign3A_357 : i1 to i32
      %sign3A_359 = arith.constant 0 : i32
      %sign3A_360 = arith.cmpi slt, %jit3A_347, %sign3A_359 : i32
      %sign3A_361 = arith.extui %sign3A_360 : i1 to i32
      %sign3A_362 = arith.subi %sign3A_358, %sign3A_361 : i32
      %ne3A_363 = arith.cmpi ne, %sign3A_355, %sign3A_362 : i32
      %rem3A_364 = arith.remsi %sub3A_330, %jit3A_347 : i32
      %ne3A_365 = arith.constant 0 : i32
      %ne3A_366 = arith.cmpi ne, %rem3A_364, %ne3A_365 : i32
      %and3A_367 = arith.andi %ne3A_363, %ne3A_366 : i1
      %sub3A_368 = arith.constant 1 : i32
      %sub3A_369 = arith.subi %div3A_348, %sub3A_368 : i32
      %select_n3A_370 = arith.select %and3A_367, %sub3A_369, %div3A_348 : i32
      %jit3A_371 = arith.constant 25 : i32
      %eq3A_372 = arith.constant 0 : i32
      %eq3A_373 = arith.cmpi eq, %jit3A_371, %eq3A_372 : i32
      %jit3A_374 = arith.constant 1 : i32
      %select_n3A_375 = arith.select %eq3A_373, %jit3A_374, %jit3A_371 : i32
      %rem3A_376 = arith.remsi %sub3A_330, %select_n3A_375 : i32
      %ne3A_377 = arith.constant 0 : i32
      %ne3A_378 = arith.cmpi ne, %rem3A_376, %ne3A_377 : i32
      %lt3A_379 = arith.constant 0 : i32
      %lt3A_380 = arith.cmpi slt, %rem3A_376, %lt3A_379 : i32
      %lt3A_381 = arith.constant 0 : i32
      %lt3A_382 = arith.cmpi slt, %select_n3A_375, %lt3A_381 : i32
      %ne3A_383 = arith.xori %lt3A_380, %lt3A_382 : i1
      %and3A_384 = arith.andi %ne3A_383, %ne3A_378 : i1
      %add3A_385 = arith.addi %rem3A_376, %select_n3A_375 : i32
      %select_n3A_386 = arith.select %and3A_384, %add3A_385, %rem3A_376 : i32
      %jit3A_387 = arith.constant 2 : i32
      %eq3A_388 = arith.constant 0 : i32
      %eq3A_389 = arith.cmpi eq, %jit3A_387, %eq3A_388 : i32
      %jit3A_390 = arith.constant 1 : i32
      %select_n3A_391 = arith.select %eq3A_389, %jit3A_390, %jit3A_387 : i32
      %rem3A_392 = arith.remsi %select_n3A_370, %select_n3A_391 : i32
      %ne3A_393 = arith.constant 0 : i32
      %ne3A_394 = arith.cmpi ne, %rem3A_392, %ne3A_393 : i32
      %lt3A_395 = arith.constant 0 : i32
      %lt3A_396 = arith.cmpi slt, %rem3A_392, %lt3A_395 : i32
      %lt3A_397 = arith.constant 0 : i32
      %lt3A_398 = arith.cmpi slt, %select_n3A_391, %lt3A_397 : i32
      %ne3A_399 = arith.xori %lt3A_396, %lt3A_398 : i1
      %and3A_400 = arith.andi %ne3A_399, %ne3A_394 : i1
      %add3A_401 = arith.addi %rem3A_392, %select_n3A_391 : i32
      %select_n3A_402 = arith.select %and3A_400, %add3A_401, %rem3A_392 : i32
      %eq3A_403 = arith.constant 0 : i32
      %eq3A_404 = arith.cmpi eq, %select_n3A_310, %eq3A_403 : i32
      %add3A_405 = arith.constant 1 : i32
      %add3A_406 = arith.addi %select_n3A_294, %add3A_405 : i32
      %lt3A_407 = arith.constant 25 : i32
      %lt3A_408 = arith.cmpi slt, %add3A_406, %lt3A_407 : i32
      %and3A_409 = arith.andi %eq3A_404, %lt3A_408 : i1
      %convert_element_type3A_410 = arith.extui %and3A_409 : i1 to i32
      %cond3A_411 = arith.constant 0 : i32
      %cond3A_412 = arith.cmpi ne, %convert_element_type3A_410, %cond3A_411 : i32
      scf.if %cond3A_412 {
        %add3A_442 = arith.constant 1 : i32
        %add3A_443 = arith.addi %select_n3A_294, %add3A_442 : i32
        %sub3A_444 = arith.constant 1 : i32
        %sub3A_445 = arith.subi %sub3A_444, %select_n3A_326 : i32
        %sub3A_446 = arith.constant 1 : i32
        %sub3A_447 = arith.subi %sub3A_446, %select_n3A_326 : i32
        %dma_start3A_448 = arith.constant 0 : i32
        %dma_start3A_449 = arith.constant 0 : i32
        %dma_start3A_450 = tpu.memref_slice %arg6[%sub3A_445, %dma_start3A_448, %dma_start3A_449] : memref<2x25x32xi32, #tpu.memory_space<vmem>> -> memref<1x25x32xi32, #tpu.memory_space<vmem>>
        %dma_start3A_451 = tpu.memref_squeeze %dma_start3A_450 : memref<1x25x32xi32, #tpu.memory_space<vmem>> -> memref<25x32xi32, #tpu.memory_space<vmem>>
        %dma_start3A_452 = arith.constant 0 : i32
        %dma_start3A_453 = arith.constant 0 : i32
        %dma_start3A_454 = tpu.memref_slice %arg3[%add3A, %add3A_443, %dma_start3A_452, %dma_start3A_453] : memref<32x25x25x32xi32, #tpu.memory_space<hbm>> -> memref<1x1x25x32xi32, #tpu.memory_space<hbm>>
        %dma_start3A_455 = tpu.memref_squeeze %dma_start3A_454 : memref<1x1x25x32xi32, #tpu.memory_space<hbm>> -> memref<25x32xi32, #tpu.memory_space<hbm>>
        %dma_start3A_456 = tpu.memref_slice %arg11[%sub3A_447] : memref<2x!tpu.dma_semaphore, #tpu.memory_space<semaphore_mem>> -> memref<1x!tpu.dma_semaphore, #tpu.memory_space<semaphore_mem>>
        %dma_start3A_457 = tpu.memref_squeeze %dma_start3A_456 : memref<1x!tpu.dma_semaphore, #tpu.memory_space<semaphore_mem>> -> memref<!tpu.dma_semaphore, #tpu.memory_space<semaphore_mem>>
        %dma_start3A_458 = arith.constant 0 : i32
        %dma_start3A_459 = arith.constant 0 : i32
        %dma_start3A_460 = tpu.memref_slice %arg6[%sub3A_445, %dma_start3A_458, %dma_start3A_459] : memref<2x25x32xi32, #tpu.memory_space<vmem>> -> memref<1x25x32xi32, #tpu.memory_space<vmem>>
        %dma_start3A_461 = tpu.memref_squeeze %dma_start3A_460 : memref<1x25x32xi32, #tpu.memory_space<vmem>> -> memref<25x32xi32, #tpu.memory_space<vmem>>
        %dma_start3A_462 = arith.constant 0 : i32
        %dma_start3A_463 = arith.constant 0 : i32
        %dma_start3A_464 = tpu.memref_slice %arg3[%add3A, %add3A_443, %dma_start3A_462, %dma_start3A_463] : memref<32x25x25x32xi32, #tpu.memory_space<hbm>> -> memref<1x1x25x32xi32, #tpu.memory_space<hbm>>
        %dma_start3A_465 = tpu.memref_squeeze %dma_start3A_464 : memref<1x1x25x32xi32, #tpu.memory_space<hbm>> -> memref<25x32xi32, #tpu.memory_space<hbm>>
        tpu.enqueue_dma source(%dma_start3A_465 : memref<25x32xi32, #tpu.memory_space<hbm>>) target(%dma_start3A_461 : memref<25x32xi32, #tpu.memory_space<vmem>>) target_semaphore(%dma_start3A_457 : memref<!tpu.dma_semaphore, #tpu.memory_space<semaphore_mem>>)
        %add3A_466 = arith.constant 1 : i32
        %add3A_467 = arith.addi %select_n3A_294, %add3A_466 : i32
        %sub3A_468 = arith.constant 1 : i32
        %sub3A_469 = arith.subi %sub3A_468, %select_n3A_326 : i32
        %sub3A_470 = arith.constant 1 : i32
        %sub3A_471 = arith.subi %sub3A_470, %select_n3A_326 : i32
        %dma_start3A_472 = arith.constant 0 : i32
        %dma_start3A_473 = arith.constant 0 : i32
        %dma_start3A_474 = tpu.memref_slice %arg7[%sub3A_469, %dma_start3A_472, %dma_start3A_473] : memref<2x25x32xi32, #tpu.memory_space<vmem>> -> memref<1x25x32xi32, #tpu.memory_space<vmem>>
        %dma_start3A_475 = tpu.memref_squeeze %dma_start3A_474 : memref<1x25x32xi32, #tpu.memory_space<vmem>> -> memref<25x32xi32, #tpu.memory_space<vmem>>
        %dma_start3A_476 = arith.constant 0 : i32
        %dma_start3A_477 = arith.constant 0 : i32
        %dma_start3A_478 = tpu.memref_slice %arg4[%add3A, %add3A_467, %dma_start3A_476, %dma_start3A_477] : memref<32x25x25x32xi32, #tpu.memory_space<hbm>> -> memref<1x1x25x32xi32, #tpu.memory_space<hbm>>
        %dma_start3A_479 = tpu.memref_squeeze %dma_start3A_478 : memref<1x1x25x32xi32, #tpu.memory_space<hbm>> -> memref<25x32xi32, #tpu.memory_space<hbm>>
        %dma_start3A_480 = tpu.memref_slice %arg11[%sub3A_471] : memref<2x!tpu.dma_semaphore, #tpu.memory_space<semaphore_mem>> -> memref<1x!tpu.dma_semaphore, #tpu.memory_space<semaphore_mem>>
        %dma_start3A_481 = tpu.memref_squeeze %dma_start3A_480 : memref<1x!tpu.dma_semaphore, #tpu.memory_space<semaphore_mem>> -> memref<!tpu.dma_semaphore, #tpu.memory_space<semaphore_mem>>
        %dma_start3A_482 = arith.constant 0 : i32
        %dma_start3A_483 = arith.constant 0 : i32
        %dma_start3A_484 = tpu.memref_slice %arg7[%sub3A_469, %dma_start3A_482, %dma_start3A_483] : memref<2x25x32xi32, #tpu.memory_space<vmem>> -> memref<1x25x32xi32, #tpu.memory_space<vmem>>
        %dma_start3A_485 = tpu.memref_squeeze %dma_start3A_484 : memref<1x25x32xi32, #tpu.memory_space<vmem>> -> memref<25x32xi32, #tpu.memory_space<vmem>>
        %dma_start3A_486 = arith.constant 0 : i32
        %dma_start3A_487 = arith.constant 0 : i32
        %dma_start3A_488 = tpu.memref_slice %arg4[%add3A, %add3A_467, %dma_start3A_486, %dma_start3A_487] : memref<32x25x25x32xi32, #tpu.memory_space<hbm>> -> memref<1x1x25x32xi32, #tpu.memory_space<hbm>>
        %dma_start3A_489 = tpu.memref_squeeze %dma_start3A_488 : memref<1x1x25x32xi32, #tpu.memory_space<hbm>> -> memref<25x32xi32, #tpu.memory_space<hbm>>
        tpu.enqueue_dma source(%dma_start3A_489 : memref<25x32xi32, #tpu.memory_space<hbm>>) target(%dma_start3A_485 : memref<25x32xi32, #tpu.memory_space<vmem>>) target_semaphore(%dma_start3A_481 : memref<!tpu.dma_semaphore, #tpu.memory_space<semaphore_mem>>)
      } else {
      }
      %lt3A_413 = arith.constant 625 : i32
      %lt3A_414 = arith.cmpi slt, %sub3A_330, %lt3A_413 : i32
      %convert_element_type3A_415 = arith.extui %lt3A_414 : i1 to i32
      %cond3A_416 = arith.constant 0 : i32
      %cond3A_417 = arith.cmpi ne, %convert_element_type3A_415, %cond3A_416 : i32
      scf.if %cond3A_417 {
        %eq3A_442 = arith.constant 0 : i32
        %eq3A_443 = arith.cmpi eq, %select_n3A_386, %eq3A_442 : i32
        %convert_element_type3A_444 = arith.extui %eq3A_443 : i1 to i32
        %cond3A_445 = arith.constant 0 : i32
        %cond3A_446 = arith.cmpi ne, %convert_element_type3A_444, %cond3A_445 : i32
        scf.if %cond3A_446 {
          %dma_wait3A_463 = arith.constant 0 : i32
          %dma_wait3A_464 = arith.constant 0 : i32
          %dma_wait3A_465 = tpu.memref_slice %arg6[%select_n3A_402, %dma_wait3A_463, %dma_wait3A_464] : memref<2x25x32xi32, #tpu.memory_space<vmem>> -> memref<1x25x32xi32, #tpu.memory_space<vmem>>
          %dma_wait3A_466 = tpu.memref_squeeze %dma_wait3A_465 : memref<1x25x32xi32, #tpu.memory_space<vmem>> -> memref<25x32xi32, #tpu.memory_space<vmem>>
          %dma_wait3A_467 = arith.constant 0 : i32
          %dma_wait3A_468 = arith.constant 0 : i32
          %dma_wait3A_469 = tpu.memref_slice %arg3[%add3A, %select_n3A_370, %dma_wait3A_467, %dma_wait3A_468] : memref<32x25x25x32xi32, #tpu.memory_space<hbm>> -> memref<1x1x25x32xi32, #tpu.memory_space<hbm>>
          %dma_wait3A_470 = tpu.memref_squeeze %dma_wait3A_469 : memref<1x1x25x32xi32, #tpu.memory_space<hbm>> -> memref<25x32xi32, #tpu.memory_space<hbm>>
          %dma_wait3A_471 = tpu.memref_slice %arg11[%select_n3A_402] : memref<2x!tpu.dma_semaphore, #tpu.memory_space<semaphore_mem>> -> memref<1x!tpu.dma_semaphore, #tpu.memory_space<semaphore_mem>>
          %dma_wait3A_472 = tpu.memref_squeeze %dma_wait3A_471 : memref<1x!tpu.dma_semaphore, #tpu.memory_space<semaphore_mem>> -> memref<!tpu.dma_semaphore, #tpu.memory_space<semaphore_mem>>
          %dma_wait3A_473 = arith.constant 0 : i32
          %dma_wait3A_474 = arith.constant 0 : i32
          %dma_wait3A_475 = tpu.memref_slice %arg6[%select_n3A_402, %dma_wait3A_473, %dma_wait3A_474] : memref<2x25x32xi32, #tpu.memory_space<vmem>> -> memref<1x25x32xi32, #tpu.memory_space<vmem>>
          %dma_wait3A_476 = tpu.memref_squeeze %dma_wait3A_475 : memref<1x25x32xi32, #tpu.memory_space<vmem>> -> memref<25x32xi32, #tpu.memory_space<vmem>>
          %dma_wait3A_477 = arith.constant 0 : i32
          %dma_wait3A_478 = arith.constant 0 : i32
          %dma_wait3A_479 = tpu.memref_slice %arg3[%add3A, %select_n3A_370, %dma_wait3A_477, %dma_wait3A_478] : memref<32x25x25x32xi32, #tpu.memory_space<hbm>> -> memref<1x1x25x32xi32, #tpu.memory_space<hbm>>
          %dma_wait3A_480 = tpu.memref_squeeze %dma_wait3A_479 : memref<1x1x25x32xi32, #tpu.memory_space<hbm>> -> memref<25x32xi32, #tpu.memory_space<hbm>>
          tpu.wait_dma2 semaphore(%dma_wait3A_472 : memref<!tpu.dma_semaphore, #tpu.memory_space<semaphore_mem>>) src(%dma_wait3A_480 : memref<25x32xi32, #tpu.memory_space<hbm>>) dst(%dma_wait3A_476 : memref<25x32xi32, #tpu.memory_space<vmem>>)
          %dma_wait3A_481 = arith.constant 0 : i32
          %dma_wait3A_482 = arith.constant 0 : i32
          %dma_wait3A_483 = tpu.memref_slice %arg7[%select_n3A_402, %dma_wait3A_481, %dma_wait3A_482] : memref<2x25x32xi32, #tpu.memory_space<vmem>> -> memref<1x25x32xi32, #tpu.memory_space<vmem>>
          %dma_wait3A_484 = tpu.memref_squeeze %dma_wait3A_483 : memref<1x25x32xi32, #tpu.memory_space<vmem>> -> memref<25x32xi32, #tpu.memory_space<vmem>>
          %dma_wait3A_485 = arith.constant 0 : i32
          %dma_wait3A_486 = arith.constant 0 : i32
          %dma_wait3A_487 = tpu.memref_slice %arg4[%add3A, %select_n3A_370, %dma_wait3A_485, %dma_wait3A_486] : memref<32x25x25x32xi32, #tpu.memory_space<hbm>> -> memref<1x1x25x32xi32, #tpu.memory_space<hbm>>
          %dma_wait3A_488 = tpu.memref_squeeze %dma_wait3A_487 : memref<1x1x25x32xi32, #tpu.memory_space<hbm>> -> memref<25x32xi32, #tpu.memory_space<hbm>>
          %dma_wait3A_489 = tpu.memref_slice %arg11[%select_n3A_402] : memref<2x!tpu.dma_semaphore, #tpu.memory_space<semaphore_mem>> -> memref<1x!tpu.dma_semaphore, #tpu.memory_space<semaphore_mem>>
          %dma_wait3A_490 = tpu.memref_squeeze %dma_wait3A_489 : memref<1x!tpu.dma_semaphore, #tpu.memory_space<semaphore_mem>> -> memref<!tpu.dma_semaphore, #tpu.memory_space<semaphore_mem>>
          %dma_wait3A_491 = arith.constant 0 : i32
          %dma_wait3A_492 = arith.constant 0 : i32
          %dma_wait3A_493 = tpu.memref_slice %arg7[%select_n3A_402, %dma_wait3A_491, %dma_wait3A_492] : memref<2x25x32xi32, #tpu.memory_space<vmem>> -> memref<1x25x32xi32, #tpu.memory_space<vmem>>
          %dma_wait3A_494 = tpu.memref_squeeze %dma_wait3A_493 : memref<1x25x32xi32, #tpu.memory_space<vmem>> -> memref<25x32xi32, #tpu.memory_space<vmem>>
          %dma_wait3A_495 = arith.constant 0 : i32
          %dma_wait3A_496 = arith.constant 0 : i32
          %dma_wait3A_497 = tpu.memref_slice %arg4[%add3A, %select_n3A_370, %dma_wait3A_495, %dma_wait3A_496] : memref<32x25x25x32xi32, #tpu.memory_space<hbm>> -> memref<1x1x25x32xi32, #tpu.memory_space<hbm>>
          %dma_wait3A_498 = tpu.memref_squeeze %dma_wait3A_497 : memref<1x1x25x32xi32, #tpu.memory_space<hbm>> -> memref<25x32xi32, #tpu.memory_space<hbm>>
          tpu.wait_dma2 semaphore(%dma_wait3A_490 : memref<!tpu.dma_semaphore, #tpu.memory_space<semaphore_mem>>) src(%dma_wait3A_498 : memref<25x32xi32, #tpu.memory_space<hbm>>) dst(%dma_wait3A_494 : memref<25x32xi32, #tpu.memory_space<vmem>>)
        } else {
        }
        %ge3A = arith.constant 8 : i32
        %ge3A_447 = arith.cmpi sge, %sub3A_330, %ge3A : i32
        %convert_element_type3A_448 = arith.extui %ge3A_447 : i1 to i32
        %cond3A_449 = arith.constant 0 : i32
        %cond3A_450 = arith.cmpi ne, %convert_element_type3A_448, %cond3A_449 : i32
        scf.if %cond3A_450 {
          %dma_wait3A_463 = arith.constant 0 : i32
          %dma_wait3A_464 = arith.constant 0 : i32
          %dma_wait3A_465 = arith.constant 0 : i32
          %dma_wait3A_466 = arith.constant 0 : i32
          %dma_wait3A_467 = tpu.memref_slice %arg8[%select_n3A_346, %dma_wait3A_465, %dma_wait3A_466] : memref<8x32x128xf32, #tpu.memory_space<vmem>> -> memref<1x32x128xf32, #tpu.memory_space<vmem>>
          %dma_wait3A_468 = tpu.memref_squeeze %dma_wait3A_467 : memref<1x32x128xf32, #tpu.memory_space<vmem>> -> memref<32x128xf32, #tpu.memory_space<vmem>>
          %dma_wait3A_469 = arith.constant 0 : i32
          %dma_wait3A_470 = tpu.memref_slice %arg7[%dma_wait3A_463, %dma_wait3A_464, %dma_wait3A_469] : memref<2x25x32xi32, #tpu.memory_space<vmem>> -> memref<1x1x32xi32, #tpu.memory_space<vmem>>
          %dma_wait3A_471 = tpu.memref_squeeze %dma_wait3A_470 : memref<1x1x32xi32, #tpu.memory_space<vmem>> -> memref<32xi32, #tpu.memory_space<vmem>>
          %dma_wait3A_472 = arith.constant 0 : i32
          %dma_wait3A_473 = arith.constant 0 : i32
          %dma_wait3A_474 = tpu.memref_slice %arg9[%dma_wait3A_472, %dma_wait3A_473] : memref<10000x128xf32, #tpu.memory_space<vmem_shared>> -> memref<10000x128xf32, #tpu.memory_space<vmem_shared>>
          %dma_wait3A_475 = tpu.memref_slice %arg12[%select_n3A_346] : memref<8x!tpu.dma_semaphore, #tpu.memory_space<semaphore_mem>> -> memref<1x!tpu.dma_semaphore, #tpu.memory_space<semaphore_mem>>
          %dma_wait3A_476 = tpu.memref_squeeze %dma_wait3A_475 : memref<1x!tpu.dma_semaphore, #tpu.memory_space<semaphore_mem>> -> memref<!tpu.dma_semaphore, #tpu.memory_space<semaphore_mem>>
          tpu.wait_indirect_dma semaphore(%dma_wait3A_476 : memref<!tpu.dma_semaphore, #tpu.memory_space<semaphore_mem>>) src(%dma_wait3A_468 : memref<32x128xf32, #tpu.memory_space<vmem>>) dst(%dma_wait3A_474 : memref<10000x128xf32, #tpu.memory_space<vmem_shared>>)
        } else {
        }
        %dma_start3A_451 = arith.constant 0 : i32
        %dma_start3A_452 = arith.constant 0 : i32
        %dma_start3A_453 = tpu.memref_slice %arg8[%select_n3A_346, %dma_start3A_451, %dma_start3A_452] : memref<8x32x128xf32, #tpu.memory_space<vmem>> -> memref<1x32x128xf32, #tpu.memory_space<vmem>>
        %dma_start3A_454 = tpu.memref_squeeze %dma_start3A_453 : memref<1x32x128xf32, #tpu.memory_space<vmem>> -> memref<32x128xf32, #tpu.memory_space<vmem>>
        %dma_start3A_455 = arith.constant 0 : i32
        %dma_start3A_456 = tpu.memref_slice %arg6[%select_n3A_402, %select_n3A_386, %dma_start3A_455] : memref<2x25x32xi32, #tpu.memory_space<vmem>> -> memref<1x1x32xi32, #tpu.memory_space<vmem>>
        %dma_start3A_457 = tpu.memref_squeeze %dma_start3A_456 : memref<1x1x32xi32, #tpu.memory_space<vmem>> -> memref<32xi32, #tpu.memory_space<vmem>>
        %dma_start3A_458 = arith.constant 0 : i32
        %dma_start3A_459 = arith.constant 0 : i32
        %dma_start3A_460 = tpu.memref_slice %arg2[%dma_start3A_458, %dma_start3A_459] : memref<10000x128xf32, #tpu.memory_space<hbm>> -> memref<10000x128xf32, #tpu.memory_space<hbm>>
        %dma_start3A_461 = tpu.memref_slice %arg10[%select_n3A_346] : memref<8x!tpu.dma_semaphore, #tpu.memory_space<semaphore_mem>> -> memref<1x!tpu.dma_semaphore, #tpu.memory_space<semaphore_mem>>
        %dma_start3A_462 = tpu.memref_squeeze %dma_start3A_461 : memref<1x!tpu.dma_semaphore, #tpu.memory_space<semaphore_mem>> -> memref<!tpu.dma_semaphore, #tpu.memory_space<semaphore_mem>>
        tpu.enqueue_indirect_dma source(%dma_start3A_460 : memref<10000x128xf32, #tpu.memory_space<hbm>>) target(%dma_start3A_454 : memref<32x128xf32, #tpu.memory_space<vmem>>) offsets(%dma_start3A_457 : memref<32xi32, #tpu.memory_space<vmem>>) semaphore(%dma_start3A_462 : memref<!tpu.dma_semaphore, #tpu.memory_space<semaphore_mem>>)
      } else {
      }
      %dma_wait3A_418 = arith.constant 0 : i32
      %dma_wait3A_419 = arith.constant 0 : i32
      %dma_wait3A_420 = tpu.memref_slice %arg8[%select_n3A_273, %dma_wait3A_418, %dma_wait3A_419] : memref<8x32x128xf32, #tpu.memory_space<vmem>> -> memref<1x32x128xf32, #tpu.memory_space<vmem>>
      %dma_wait3A_421 = tpu.memref_squeeze %dma_wait3A_420 : memref<1x32x128xf32, #tpu.memory_space<vmem>> -> memref<32x128xf32, #tpu.memory_space<vmem>>
      %dma_wait3A_422 = arith.constant 0 : i32
      %dma_wait3A_423 = tpu.memref_slice %arg6[%select_n3A_326, %select_n3A_310, %dma_wait3A_422] : memref<2x25x32xi32, #tpu.memory_space<vmem>> -> memref<1x1x32xi32, #tpu.memory_space<vmem>>
      %dma_wait3A_424 = tpu.memref_squeeze %dma_wait3A_423 : memref<1x1x32xi32, #tpu.memory_space<vmem>> -> memref<32xi32, #tpu.memory_space<vmem>>
      %dma_wait3A_425 = arith.constant 0 : i32
      %dma_wait3A_426 = arith.constant 0 : i32
      %dma_wait3A_427 = tpu.memref_slice %arg2[%dma_wait3A_425, %dma_wait3A_426] : memref<10000x128xf32, #tpu.memory_space<hbm>> -> memref<10000x128xf32, #tpu.memory_space<hbm>>
      %dma_wait3A_428 = tpu.memref_slice %arg10[%select_n3A_273] : memref<8x!tpu.dma_semaphore, #tpu.memory_space<semaphore_mem>> -> memref<1x!tpu.dma_semaphore, #tpu.memory_space<semaphore_mem>>
      %dma_wait3A_429 = tpu.memref_squeeze %dma_wait3A_428 : memref<1x!tpu.dma_semaphore, #tpu.memory_space<semaphore_mem>> -> memref<!tpu.dma_semaphore, #tpu.memory_space<semaphore_mem>>
      tpu.wait_indirect_dma semaphore(%dma_wait3A_429 : memref<!tpu.dma_semaphore, #tpu.memory_space<semaphore_mem>>) src(%dma_wait3A_427 : memref<10000x128xf32, #tpu.memory_space<hbm>>) dst(%dma_wait3A_421 : memref<32x128xf32, #tpu.memory_space<vmem>>)
      %dma_start3A_430 = arith.constant 0 : i32
      %dma_start3A_431 = arith.constant 0 : i32
      %dma_start3A_432 = tpu.memref_slice %arg8[%select_n3A_273, %dma_start3A_430, %dma_start3A_431] : memref<8x32x128xf32, #tpu.memory_space<vmem>> -> memref<1x32x128xf32, #tpu.memory_space<vmem>>
      %dma_start3A_433 = tpu.memref_squeeze %dma_start3A_432 : memref<1x32x128xf32, #tpu.memory_space<vmem>> -> memref<32x128xf32, #tpu.memory_space<vmem>>
      %dma_start3A_434 = arith.constant 0 : i32
      %dma_start3A_435 = tpu.memref_slice %arg7[%select_n3A_326, %select_n3A_310, %dma_start3A_434] : memref<2x25x32xi32, #tpu.memory_space<vmem>> -> memref<1x1x32xi32, #tpu.memory_space<vmem>>
      %dma_start3A_436 = tpu.memref_squeeze %dma_start3A_435 : memref<1x1x32xi32, #tpu.memory_space<vmem>> -> memref<32xi32, #tpu.memory_space<vmem>>
      %dma_start3A_437 = arith.constant 0 : i32
      %dma_start3A_438 = arith.constant 0 : i32
      %dma_start3A_439 = tpu.memref_slice %arg9[%dma_start3A_437, %dma_start3A_438] : memref<10000x128xf32, #tpu.memory_space<vmem_shared>> -> memref<10000x128xf32, #tpu.memory_space<vmem_shared>>
      %dma_start3A_440 = tpu.memref_slice %arg12[%select_n3A_273] : memref<8x!tpu.dma_semaphore, #tpu.memory_space<semaphore_mem>> -> memref<1x!tpu.dma_semaphore, #tpu.memory_space<semaphore_mem>>
      %dma_start3A_441 = tpu.memref_squeeze %dma_start3A_440 : memref<1x!tpu.dma_semaphore, #tpu.memory_space<semaphore_mem>> -> memref<!tpu.dma_semaphore, #tpu.memory_space<semaphore_mem>>
      tpu.enqueue_indirect_dma source(%dma_start3A_433 : memref<32x128xf32, #tpu.memory_space<vmem>>) target(%dma_start3A_439 : memref<10000x128xf32, #tpu.memory_space<vmem_shared>>) offsets(%dma_start3A_436 : memref<32xi32, #tpu.memory_space<vmem>>) semaphore(%dma_start3A_441 : memref<!tpu.dma_semaphore, #tpu.memory_space<semaphore_mem>>) {add = true}
    }
    %scan3A_125 = arith.constant 625 : i32
    %dma_wait3A = arith.constant 0 : i32
    %dma_wait3A_126 = arith.constant 0 : i32
    %dma_wait3A_127 = arith.constant 0 : i32
    %dma_wait3A_128 = arith.constant 0 : i32
    %dma_wait3A_129 = arith.constant 0 : i32
    %dma_wait3A_130 = arith.constant 0 : i32
    %dma_wait3A_131 = tpu.memref_slice %arg8[%dma_wait3A, %dma_wait3A_129, %dma_wait3A_130] : memref<8x32x128xf32, #tpu.memory_space<vmem>> -> memref<1x32x128xf32, #tpu.memory_space<vmem>>
    %dma_wait3A_132 = tpu.memref_squeeze %dma_wait3A_131 : memref<1x32x128xf32, #tpu.memory_space<vmem>> -> memref<32x128xf32, #tpu.memory_space<vmem>>
    %dma_wait3A_133 = arith.constant 0 : i32
    %dma_wait3A_134 = tpu.memref_slice %arg7[%dma_wait3A_126, %dma_wait3A_127, %dma_wait3A_133] : memref<2x25x32xi32, #tpu.memory_space<vmem>> -> memref<1x1x32xi32, #tpu.memory_space<vmem>>
    %dma_wait3A_135 = tpu.memref_squeeze %dma_wait3A_134 : memref<1x1x32xi32, #tpu.memory_space<vmem>> -> memref<32xi32, #tpu.memory_space<vmem>>
    %dma_wait3A_136 = arith.constant 0 : i32
    %dma_wait3A_137 = arith.constant 0 : i32
    %dma_wait3A_138 = tpu.memref_slice %arg9[%dma_wait3A_136, %dma_wait3A_137] : memref<10000x128xf32, #tpu.memory_space<vmem_shared>> -> memref<10000x128xf32, #tpu.memory_space<vmem_shared>>
    %dma_wait3A_139 = tpu.memref_slice %arg12[%dma_wait3A_128] : memref<8x!tpu.dma_semaphore, #tpu.memory_space<semaphore_mem>> -> memref<1x!tpu.dma_semaphore, #tpu.memory_space<semaphore_mem>>
    %dma_wait3A_140 = tpu.memref_squeeze %dma_wait3A_139 : memref<1x!tpu.dma_semaphore, #tpu.memory_space<semaphore_mem>> -> memref<!tpu.dma_semaphore, #tpu.memory_space<semaphore_mem>>
    tpu.wait_indirect_dma semaphore(%dma_wait3A_140 : memref<!tpu.dma_semaphore, #tpu.memory_space<semaphore_mem>>) src(%dma_wait3A_132 : memref<32x128xf32, #tpu.memory_space<vmem>>) dst(%dma_wait3A_138 : memref<10000x128xf32, #tpu.memory_space<vmem_shared>>)
    %dma_wait3A_141 = arith.constant 1 : i32
    %dma_wait3A_142 = arith.constant 0 : i32
    %dma_wait3A_143 = arith.constant 0 : i32
    %dma_wait3A_144 = arith.constant 1 : i32
    %dma_wait3A_145 = arith.constant 0 : i32
    %dma_wait3A_146 = arith.constant 0 : i32
    %dma_wait3A_147 = tpu.memref_slice %arg8[%dma_wait3A_141, %dma_wait3A_145, %dma_wait3A_146] : memref<8x32x128xf32, #tpu.memory_space<vmem>> -> memref<1x32x128xf32, #tpu.memory_space<vmem>>
    %dma_wait3A_148 = tpu.memref_squeeze %dma_wait3A_147 : memref<1x32x128xf32, #tpu.memory_space<vmem>> -> memref<32x128xf32, #tpu.memory_space<vmem>>
    %dma_wait3A_149 = arith.constant 0 : i32
    %dma_wait3A_150 = tpu.memref_slice %arg7[%dma_wait3A_142, %dma_wait3A_143, %dma_wait3A_149] : memref<2x25x32xi32, #tpu.memory_space<vmem>> -> memref<1x1x32xi32, #tpu.memory_space<vmem>>
    %dma_wait3A_151 = tpu.memref_squeeze %dma_wait3A_150 : memref<1x1x32xi32, #tpu.memory_space<vmem>> -> memref<32xi32, #tpu.memory_space<vmem>>
    %dma_wait3A_152 = arith.constant 0 : i32
    %dma_wait3A_153 = arith.constant 0 : i32
    %dma_wait3A_154 = tpu.memref_slice %arg9[%dma_wait3A_152, %dma_wait3A_153] : memref<10000x128xf32, #tpu.memory_space<vmem_shared>> -> memref<10000x128xf32, #tpu.memory_space<vmem_shared>>
    %dma_wait3A_155 = tpu.memref_slice %arg12[%dma_wait3A_144] : memref<8x!tpu.dma_semaphore, #tpu.memory_space<semaphore_mem>> -> memref<1x!tpu.dma_semaphore, #tpu.memory_space<semaphore_mem>>
    %dma_wait3A_156 = tpu.memref_squeeze %dma_wait3A_155 : memref<1x!tpu.dma_semaphore, #tpu.memory_space<semaphore_mem>> -> memref<!tpu.dma_semaphore, #tpu.memory_space<semaphore_mem>>
    tpu.wait_indirect_dma semaphore(%dma_wait3A_156 : memref<!tpu.dma_semaphore, #tpu.memory_space<semaphore_mem>>) src(%dma_wait3A_148 : memref<32x128xf32, #tpu.memory_space<vmem>>) dst(%dma_wait3A_154 : memref<10000x128xf32, #tpu.memory_space<vmem_shared>>)
    %dma_wait3A_157 = arith.constant 2 : i32
    %dma_wait3A_158 = arith.constant 0 : i32
    %dma_wait3A_159 = arith.constant 0 : i32
    %dma_wait3A_160 = arith.constant 2 : i32
    %dma_wait3A_161 = arith.constant 0 : i32
    %dma_wait3A_162 = arith.constant 0 : i32
    %dma_wait3A_163 = tpu.memref_slice %arg8[%dma_wait3A_157, %dma_wait3A_161, %dma_wait3A_162] : memref<8x32x128xf32, #tpu.memory_space<vmem>> -> memref<1x32x128xf32, #tpu.memory_space<vmem>>
    %dma_wait3A_164 = tpu.memref_squeeze %dma_wait3A_163 : memref<1x32x128xf32, #tpu.memory_space<vmem>> -> memref<32x128xf32, #tpu.memory_space<vmem>>
    %dma_wait3A_165 = arith.constant 0 : i32
    %dma_wait3A_166 = tpu.memref_slice %arg7[%dma_wait3A_158, %dma_wait3A_159, %dma_wait3A_165] : memref<2x25x32xi32, #tpu.memory_space<vmem>> -> memref<1x1x32xi32, #tpu.memory_space<vmem>>
    %dma_wait3A_167 = tpu.memref_squeeze %dma_wait3A_166 : memref<1x1x32xi32, #tpu.memory_space<vmem>> -> memref<32xi32, #tpu.memory_space<vmem>>
    %dma_wait3A_168 = arith.constant 0 : i32
    %dma_wait3A_169 = arith.constant 0 : i32
    %dma_wait3A_170 = tpu.memref_slice %arg9[%dma_wait3A_168, %dma_wait3A_169] : memref<10000x128xf32, #tpu.memory_space<vmem_shared>> -> memref<10000x128xf32, #tpu.memory_space<vmem_shared>>
    %dma_wait3A_171 = tpu.memref_slice %arg12[%dma_wait3A_160] : memref<8x!tpu.dma_semaphore, #tpu.memory_space<semaphore_mem>> -> memref<1x!tpu.dma_semaphore, #tpu.memory_space<semaphore_mem>>
    %dma_wait3A_172 = tpu.memref_squeeze %dma_wait3A_171 : memref<1x!tpu.dma_semaphore, #tpu.memory_space<semaphore_mem>> -> memref<!tpu.dma_semaphore, #tpu.memory_space<semaphore_mem>>
    tpu.wait_indirect_dma semaphore(%dma_wait3A_172 : memref<!tpu.dma_semaphore, #tpu.memory_space<semaphore_mem>>) src(%dma_wait3A_164 : memref<32x128xf32, #tpu.memory_space<vmem>>) dst(%dma_wait3A_170 : memref<10000x128xf32, #tpu.memory_space<vmem_shared>>)
    %dma_wait3A_173 = arith.constant 3 : i32
    %dma_wait3A_174 = arith.constant 0 : i32
    %dma_wait3A_175 = arith.constant 0 : i32
    %dma_wait3A_176 = arith.constant 3 : i32
    %dma_wait3A_177 = arith.constant 0 : i32
    %dma_wait3A_178 = arith.constant 0 : i32
    %dma_wait3A_179 = tpu.memref_slice %arg8[%dma_wait3A_173, %dma_wait3A_177, %dma_wait3A_178] : memref<8x32x128xf32, #tpu.memory_space<vmem>> -> memref<1x32x128xf32, #tpu.memory_space<vmem>>
    %dma_wait3A_180 = tpu.memref_squeeze %dma_wait3A_179 : memref<1x32x128xf32, #tpu.memory_space<vmem>> -> memref<32x128xf32, #tpu.memory_space<vmem>>
    %dma_wait3A_181 = arith.constant 0 : i32
    %dma_wait3A_182 = tpu.memref_slice %arg7[%dma_wait3A_174, %dma_wait3A_175, %dma_wait3A_181] : memref<2x25x32xi32, #tpu.memory_space<vmem>> -> memref<1x1x32xi32, #tpu.memory_space<vmem>>
    %dma_wait3A_183 = tpu.memref_squeeze %dma_wait3A_182 : memref<1x1x32xi32, #tpu.memory_space<vmem>> -> memref<32xi32, #tpu.memory_space<vmem>>
    %dma_wait3A_184 = arith.constant 0 : i32
    %dma_wait3A_185 = arith.constant 0 : i32
    %dma_wait3A_186 = tpu.memref_slice %arg9[%dma_wait3A_184, %dma_wait3A_185] : memref<10000x128xf32, #tpu.memory_space<vmem_shared>> -> memref<10000x128xf32, #tpu.memory_space<vmem_shared>>
    %dma_wait3A_187 = tpu.memref_slice %arg12[%dma_wait3A_176] : memref<8x!tpu.dma_semaphore, #tpu.memory_space<semaphore_mem>> -> memref<1x!tpu.dma_semaphore, #tpu.memory_space<semaphore_mem>>
    %dma_wait3A_188 = tpu.memref_squeeze %dma_wait3A_187 : memref<1x!tpu.dma_semaphore, #tpu.memory_space<semaphore_mem>> -> memref<!tpu.dma_semaphore, #tpu.memory_space<semaphore_mem>>
    tpu.wait_indirect_dma semaphore(%dma_wait3A_188 : memref<!tpu.dma_semaphore, #tpu.memory_space<semaphore_mem>>) src(%dma_wait3A_180 : memref<32x128xf32, #tpu.memory_space<vmem>>) dst(%dma_wait3A_186 : memref<10000x128xf32, #tpu.memory_space<vmem_shared>>)
    %dma_wait3A_189 = arith.constant 4 : i32
    %dma_wait3A_190 = arith.constant 0 : i32
    %dma_wait3A_191 = arith.constant 0 : i32
    %dma_wait3A_192 = arith.constant 4 : i32
    %dma_wait3A_193 = arith.constant 0 : i32
    %dma_wait3A_194 = arith.constant 0 : i32
    %dma_wait3A_195 = tpu.memref_slice %arg8[%dma_wait3A_189, %dma_wait3A_193, %dma_wait3A_194] : memref<8x32x128xf32, #tpu.memory_space<vmem>> -> memref<1x32x128xf32, #tpu.memory_space<vmem>>
    %dma_wait3A_196 = tpu.memref_squeeze %dma_wait3A_195 : memref<1x32x128xf32, #tpu.memory_space<vmem>> -> memref<32x128xf32, #tpu.memory_space<vmem>>
    %dma_wait3A_197 = arith.constant 0 : i32
    %dma_wait3A_198 = tpu.memref_slice %arg7[%dma_wait3A_190, %dma_wait3A_191, %dma_wait3A_197] : memref<2x25x32xi32, #tpu.memory_space<vmem>> -> memref<1x1x32xi32, #tpu.memory_space<vmem>>
    %dma_wait3A_199 = tpu.memref_squeeze %dma_wait3A_198 : memref<1x1x32xi32, #tpu.memory_space<vmem>> -> memref<32xi32, #tpu.memory_space<vmem>>
    %dma_wait3A_200 = arith.constant 0 : i32
    %dma_wait3A_201 = arith.constant 0 : i32
    %dma_wait3A_202 = tpu.memref_slice %arg9[%dma_wait3A_200, %dma_wait3A_201] : memref<10000x128xf32, #tpu.memory_space<vmem_shared>> -> memref<10000x128xf32, #tpu.memory_space<vmem_shared>>
    %dma_wait3A_203 = tpu.memref_slice %arg12[%dma_wait3A_192] : memref<8x!tpu.dma_semaphore, #tpu.memory_space<semaphore_mem>> -> memref<1x!tpu.dma_semaphore, #tpu.memory_space<semaphore_mem>>
    %dma_wait3A_204 = tpu.memref_squeeze %dma_wait3A_203 : memref<1x!tpu.dma_semaphore, #tpu.memory_space<semaphore_mem>> -> memref<!tpu.dma_semaphore, #tpu.memory_space<semaphore_mem>>
    tpu.wait_indirect_dma semaphore(%dma_wait3A_204 : memref<!tpu.dma_semaphore, #tpu.memory_space<semaphore_mem>>) src(%dma_wait3A_196 : memref<32x128xf32, #tpu.memory_space<vmem>>) dst(%dma_wait3A_202 : memref<10000x128xf32, #tpu.memory_space<vmem_shared>>)
    %dma_wait3A_205 = arith.constant 5 : i32
    %dma_wait3A_206 = arith.constant 0 : i32
    %dma_wait3A_207 = arith.constant 0 : i32
    %dma_wait3A_208 = arith.constant 5 : i32
    %dma_wait3A_209 = arith.constant 0 : i32
    %dma_wait3A_210 = arith.constant 0 : i32
    %dma_wait3A_211 = tpu.memref_slice %arg8[%dma_wait3A_205, %dma_wait3A_209, %dma_wait3A_210] : memref<8x32x128xf32, #tpu.memory_space<vmem>> -> memref<1x32x128xf32, #tpu.memory_space<vmem>>
    %dma_wait3A_212 = tpu.memref_squeeze %dma_wait3A_211 : memref<1x32x128xf32, #tpu.memory_space<vmem>> -> memref<32x128xf32, #tpu.memory_space<vmem>>
    %dma_wait3A_213 = arith.constant 0 : i32
    %dma_wait3A_214 = tpu.memref_slice %arg7[%dma_wait3A_206, %dma_wait3A_207, %dma_wait3A_213] : memref<2x25x32xi32, #tpu.memory_space<vmem>> -> memref<1x1x32xi32, #tpu.memory_space<vmem>>
    %dma_wait3A_215 = tpu.memref_squeeze %dma_wait3A_214 : memref<1x1x32xi32, #tpu.memory_space<vmem>> -> memref<32xi32, #tpu.memory_space<vmem>>
    %dma_wait3A_216 = arith.constant 0 : i32
    %dma_wait3A_217 = arith.constant 0 : i32
    %dma_wait3A_218 = tpu.memref_slice %arg9[%dma_wait3A_216, %dma_wait3A_217] : memref<10000x128xf32, #tpu.memory_space<vmem_shared>> -> memref<10000x128xf32, #tpu.memory_space<vmem_shared>>
    %dma_wait3A_219 = tpu.memref_slice %arg12[%dma_wait3A_208] : memref<8x!tpu.dma_semaphore, #tpu.memory_space<semaphore_mem>> -> memref<1x!tpu.dma_semaphore, #tpu.memory_space<semaphore_mem>>
    %dma_wait3A_220 = tpu.memref_squeeze %dma_wait3A_219 : memref<1x!tpu.dma_semaphore, #tpu.memory_space<semaphore_mem>> -> memref<!tpu.dma_semaphore, #tpu.memory_space<semaphore_mem>>
    tpu.wait_indirect_dma semaphore(%dma_wait3A_220 : memref<!tpu.dma_semaphore, #tpu.memory_space<semaphore_mem>>) src(%dma_wait3A_212 : memref<32x128xf32, #tpu.memory_space<vmem>>) dst(%dma_wait3A_218 : memref<10000x128xf32, #tpu.memory_space<vmem_shared>>)
    %dma_wait3A_221 = arith.constant 6 : i32
    %dma_wait3A_222 = arith.constant 0 : i32
    %dma_wait3A_223 = arith.constant 0 : i32
    %dma_wait3A_224 = arith.constant 6 : i32
    %dma_wait3A_225 = arith.constant 0 : i32
    %dma_wait3A_226 = arith.constant 0 : i32
    %dma_wait3A_227 = tpu.memref_slice %arg8[%dma_wait3A_221, %dma_wait3A_225, %dma_wait3A_226] : memref<8x32x128xf32, #tpu.memory_space<vmem>> -> memref<1x32x128xf32, #tpu.memory_space<vmem>>
    %dma_wait3A_228 = tpu.memref_squeeze %dma_wait3A_227 : memref<1x32x128xf32, #tpu.memory_space<vmem>> -> memref<32x128xf32, #tpu.memory_space<vmem>>
    %dma_wait3A_229 = arith.constant 0 : i32
    %dma_wait3A_230 = tpu.memref_slice %arg7[%dma_wait3A_222, %dma_wait3A_223, %dma_wait3A_229] : memref<2x25x32xi32, #tpu.memory_space<vmem>> -> memref<1x1x32xi32, #tpu.memory_space<vmem>>
    %dma_wait3A_231 = tpu.memref_squeeze %dma_wait3A_230 : memref<1x1x32xi32, #tpu.memory_space<vmem>> -> memref<32xi32, #tpu.memory_space<vmem>>
    %dma_wait3A_232 = arith.constant 0 : i32
    %dma_wait3A_233 = arith.constant 0 : i32
    %dma_wait3A_234 = tpu.memref_slice %arg9[%dma_wait3A_232, %dma_wait3A_233] : memref<10000x128xf32, #tpu.memory_space<vmem_shared>> -> memref<10000x128xf32, #tpu.memory_space<vmem_shared>>
    %dma_wait3A_235 = tpu.memref_slice %arg12[%dma_wait3A_224] : memref<8x!tpu.dma_semaphore, #tpu.memory_space<semaphore_mem>> -> memref<1x!tpu.dma_semaphore, #tpu.memory_space<semaphore_mem>>
    %dma_wait3A_236 = tpu.memref_squeeze %dma_wait3A_235 : memref<1x!tpu.dma_semaphore, #tpu.memory_space<semaphore_mem>> -> memref<!tpu.dma_semaphore, #tpu.memory_space<semaphore_mem>>
    tpu.wait_indirect_dma semaphore(%dma_wait3A_236 : memref<!tpu.dma_semaphore, #tpu.memory_space<semaphore_mem>>) src(%dma_wait3A_228 : memref<32x128xf32, #tpu.memory_space<vmem>>) dst(%dma_wait3A_234 : memref<10000x128xf32, #tpu.memory_space<vmem_shared>>)
    %dma_wait3A_237 = arith.constant 7 : i32
    %dma_wait3A_238 = arith.constant 0 : i32
    %dma_wait3A_239 = arith.constant 0 : i32
    %dma_wait3A_240 = arith.constant 7 : i32
    %dma_wait3A_241 = arith.constant 0 : i32
    %dma_wait3A_242 = arith.constant 0 : i32
    %dma_wait3A_243 = tpu.memref_slice %arg8[%dma_wait3A_237, %dma_wait3A_241, %dma_wait3A_242] : memref<8x32x128xf32, #tpu.memory_space<vmem>> -> memref<1x32x128xf32, #tpu.memory_space<vmem>>
    %dma_wait3A_244 = tpu.memref_squeeze %dma_wait3A_243 : memref<1x32x128xf32, #tpu.memory_space<vmem>> -> memref<32x128xf32, #tpu.memory_space<vmem>>
    %dma_wait3A_245 = arith.constant 0 : i32
    %dma_wait3A_246 = tpu.memref_slice %arg7[%dma_wait3A_238, %dma_wait3A_239, %dma_wait3A_245] : memref<2x25x32xi32, #tpu.memory_space<vmem>> -> memref<1x1x32xi32, #tpu.memory_space<vmem>>
    %dma_wait3A_247 = tpu.memref_squeeze %dma_wait3A_246 : memref<1x1x32xi32, #tpu.memory_space<vmem>> -> memref<32xi32, #tpu.memory_space<vmem>>
    %dma_wait3A_248 = arith.constant 0 : i32
    %dma_wait3A_249 = arith.constant 0 : i32
    %dma_wait3A_250 = tpu.memref_slice %arg9[%dma_wait3A_248, %dma_wait3A_249] : memref<10000x128xf32, #tpu.memory_space<vmem_shared>> -> memref<10000x128xf32, #tpu.memory_space<vmem_shared>>
    %dma_wait3A_251 = tpu.memref_slice %arg12[%dma_wait3A_240] : memref<8x!tpu.dma_semaphore, #tpu.memory_space<semaphore_mem>> -> memref<1x!tpu.dma_semaphore, #tpu.memory_space<semaphore_mem>>
    %dma_wait3A_252 = tpu.memref_squeeze %dma_wait3A_251 : memref<1x!tpu.dma_semaphore, #tpu.memory_space<semaphore_mem>> -> memref<!tpu.dma_semaphore, #tpu.memory_space<semaphore_mem>>
    tpu.wait_indirect_dma semaphore(%dma_wait3A_252 : memref<!tpu.dma_semaphore, #tpu.memory_space<semaphore_mem>>) src(%dma_wait3A_244 : memref<32x128xf32, #tpu.memory_space<vmem>>) dst(%dma_wait3A_250 : memref<10000x128xf32, #tpu.memory_space<vmem_shared>>)
    %barrier3A_253 = arith.constant 0 : index
    tpu.barrier barrier_id(%barrier3A_253)
    %mul3A_254 = arith.constant 624 : i32
    %mul3A_255 = arith.muli %arg1, %mul3A_254 : i32
    %mul3A_256 = arith.constant 624 : i32
    %mul3A_257 = arith.muli %arg1, %mul3A_256 : i32
    "tpu.region"() ({
      %run_scoped3A_263 = tpu.sem_alloc : memref<!tpu.dma_semaphore, #tpu.memory_space<semaphore_mem>>
      %dma_start3A_264 = arith.constant 0 : i32
      %dma_start3A_265 = tpu.memref_slice %arg5[%arg0, %mul3A_257, %dma_start3A_264] : memref<2x10000x128xf32, #tpu.memory_space<hbm>> -> memref<1x624x128xf32, #tpu.memory_space<hbm>>
      %dma_start3A_266 = tpu.memref_squeeze %dma_start3A_265 : memref<1x624x128xf32, #tpu.memory_space<hbm>> -> memref<624x128xf32, #tpu.memory_space<hbm>>
      %dma_start3A_267 = arith.constant 0 : i32
      %dma_start3A_268 = tpu.memref_slice %arg9[%mul3A_255, %dma_start3A_267] : memref<10000x128xf32, #tpu.memory_space<vmem_shared>> -> memref<624x128xf32, #tpu.memory_space<vmem_shared>>
      tpu.enqueue_dma source(%dma_start3A_268 : memref<624x128xf32, #tpu.memory_space<vmem_shared>>) target(%dma_start3A_266 : memref<624x128xf32, #tpu.memory_space<hbm>>) target_semaphore(%run_scoped3A_263 : memref<!tpu.dma_semaphore, #tpu.memory_space<semaphore_mem>>)
      %dma_wait3A_269 = arith.constant 0 : i32
      %dma_wait3A_270 = tpu.memref_slice %arg5[%arg0, %mul3A_257, %dma_wait3A_269] : memref<2x10000x128xf32, #tpu.memory_space<hbm>> -> memref<1x624x128xf32, #tpu.memory_space<hbm>>
      %dma_wait3A_271 = tpu.memref_squeeze %dma_wait3A_270 : memref<1x624x128xf32, #tpu.memory_space<hbm>> -> memref<624x128xf32, #tpu.memory_space<hbm>>
      %dma_wait3A_272 = arith.constant 0 : i32
      %dma_wait3A_273 = tpu.memref_slice %arg9[%mul3A_255, %dma_wait3A_272] : memref<10000x128xf32, #tpu.memory_space<vmem_shared>> -> memref<624x128xf32, #tpu.memory_space<vmem_shared>>
      tpu.wait_dma2 semaphore(%run_scoped3A_263 : memref<!tpu.dma_semaphore, #tpu.memory_space<semaphore_mem>>) src(%dma_wait3A_273 : memref<624x128xf32, #tpu.memory_space<vmem_shared>>) dst(%dma_wait3A_271 : memref<624x128xf32, #tpu.memory_space<hbm>>)
      tpu.yield
    }) : () -> ()
    %eq3A_258 = arith.constant 0 : i32
    %eq3A_259 = arith.cmpi eq, %arg1, %eq3A_258 : i32
    %convert_element_type3A_260 = arith.extui %eq3A_259 : i1 to i32
    %cond3A_261 = arith.constant 0 : i32
    %cond3A_262 = arith.cmpi ne, %convert_element_type3A_260, %cond3A_261 : i32
    scf.if %cond3A_262 {
      "tpu.region"() ({
        %run_scoped3A_263 = tpu.sem_alloc : memref<!tpu.dma_semaphore, #tpu.memory_space<semaphore_mem>>
        %dma_start3A_264 = arith.constant 9984 : i32
        %dma_start3A_265 = arith.constant 0 : i32
        %dma_start3A_266 = tpu.memref_slice %arg5[%arg0, %dma_start3A_264, %dma_start3A_265] : memref<2x10000x128xf32, #tpu.memory_space<hbm>> -> memref<1x16x128xf32, #tpu.memory_space<hbm>>
        %dma_start3A_267 = tpu.memref_squeeze %dma_start3A_266 : memref<1x16x128xf32, #tpu.memory_space<hbm>> -> memref<16x128xf32, #tpu.memory_space<hbm>>
        %dma_start3A_268 = arith.constant 9984 : i32
        %dma_start3A_269 = arith.constant 0 : i32
        %dma_start3A_270 = tpu.memref_slice %arg9[%dma_start3A_268, %dma_start3A_269] : memref<10000x128xf32, #tpu.memory_space<vmem_shared>> -> memref<16x128xf32, #tpu.memory_space<vmem_shared>>
        tpu.enqueue_dma source(%dma_start3A_270 : memref<16x128xf32, #tpu.memory_space<vmem_shared>>) target(%dma_start3A_267 : memref<16x128xf32, #tpu.memory_space<hbm>>) target_semaphore(%run_scoped3A_263 : memref<!tpu.dma_semaphore, #tpu.memory_space<semaphore_mem>>)
        %dma_wait3A_271 = arith.constant 9984 : i32
        %dma_wait3A_272 = arith.constant 0 : i32
        %dma_wait3A_273 = tpu.memref_slice %arg5[%arg0, %dma_wait3A_271, %dma_wait3A_272] : memref<2x10000x128xf32, #tpu.memory_space<hbm>> -> memref<1x16x128xf32, #tpu.memory_space<hbm>>
        %dma_wait3A_274 = tpu.memref_squeeze %dma_wait3A_273 : memref<1x16x128xf32, #tpu.memory_space<hbm>> -> memref<16x128xf32, #tpu.memory_space<hbm>>
        %dma_wait3A_275 = arith.constant 9984 : i32
        %dma_wait3A_276 = arith.constant 0 : i32
        %dma_wait3A_277 = tpu.memref_slice %arg9[%dma_wait3A_275, %dma_wait3A_276] : memref<10000x128xf32, #tpu.memory_space<vmem_shared>> -> memref<16x128xf32, #tpu.memory_space<vmem_shared>>
        tpu.wait_dma2 semaphore(%run_scoped3A_263 : memref<!tpu.dma_semaphore, #tpu.memory_space<semaphore_mem>>) src(%dma_wait3A_277 : memref<16x128xf32, #tpu.memory_space<vmem_shared>>) dst(%dma_wait3A_274 : memref<16x128xf32, #tpu.memory_space<hbm>>)
        tpu.yield
      }) : () -> ()
    } else {
    }
    return
  }
}

module attributes {stable_mosaic.version = 14 : i64} {
  func.func @_mlp_body(%arg0: i32, %arg1: memref<2x1000x128xf32, #tpu.memory_space<vmem>>, %arg2: memref<128x128xf32, #tpu.memory_space<vmem>>, %arg3: memref<1x128xf32, #tpu.memory_space<vmem>>, %arg4: memref<128x128xf32, #tpu.memory_space<vmem>>, %arg5: memref<1x128xf32, #tpu.memory_space<vmem>>, %arg6: memref<1000x128xf32, #tpu.memory_space<vmem>>) attributes {dimension_semantics = [#tpu.dimension_semantics<arbitrary>], iteration_bounds = array<i64: 10>, scalar_prefetch = 0 : i64, scratch_operands = 0 : i64, tpu.core_type = #tpu.core_type<tc>, window_params = [{transform_indices = @transform_0, window_bounds = array<i64: 2, 1000, 128>}, {pipeline_mode = #tpu.pipeline_mode<synchronous>, transform_indices = @transform_1, window_bounds = array<i64: 128, 128>}, {pipeline_mode = #tpu.pipeline_mode<synchronous>, transform_indices = @transform_2, window_bounds = array<i64: 1, 128>}, {pipeline_mode = #tpu.pipeline_mode<synchronous>, transform_indices = @transform_3, window_bounds = array<i64: 128, 128>}, {pipeline_mode = #tpu.pipeline_mode<synchronous>, transform_indices = @transform_4, window_bounds = array<i64: 1, 128>}, {transform_indices = @transform_5, window_bounds = array<i64: 1000, 128>}]} {
    %get3A = arith.constant 0 : index
    %get3A_0 = arith.constant 0 : index
    %get3A_1 = vector.load %arg2[%get3A, %get3A_0] : memref<128x128xf32, #tpu.memory_space<vmem>>, vector<128x128xf32>
    %get3A_2 = arith.constant 0 : index
    %get3A_3 = arith.constant 0 : index
    %get3A_4 = vector.load %arg3[%get3A_2, %get3A_3] : memref<1x128xf32, #tpu.memory_space<vmem>>, vector<1x128xf32>
    %get3A_5 = arith.constant 0 : index
    %get3A_6 = arith.constant 0 : index
    %get3A_7 = arith.constant 0 : index
    %get3A_8 = vector.load %arg1[%get3A_5, %get3A_6, %get3A_7] : memref<2x1000x128xf32, #tpu.memory_space<vmem>>, vector<1x1000x128xf32>
    %get3A_9 = vector.shape_cast %get3A_8 : vector<1x1000x128xf32> to vector<1000x128xf32>
    %dot_general3A = arith.constant dense<0.000000e+00> : vector<1000x128xf32>
    %dot_general3A_10 = tpu.matmul %get3A_9, %get3A_1, %dot_general3A {dimension_numbers = #tpu.dot_dimension_numbers<[1], [0], [0], [1], [0, 0, 1, 1], [], []>, transpose_lhs_hint = false} : vector<1000x128xf32>, vector<128x128xf32>, vector<1000x128xf32> -> vector<1000x128xf32>
    %add3A = vector.broadcast %get3A_4 : vector<1x128xf32> to vector<1000x128xf32>
    %add3A_11 = arith.addf %dot_general3A_10, %add3A : vector<1000x128xf32>
    %max3A = arith.constant 0.000000e+00 : f32
    %max3A_12 = vector.broadcast %max3A : f32 to vector<1000x128xf32>
    %max3A_13 = arith.maximumf %add3A_11, %max3A_12 : vector<1000x128xf32>
    %get3A_14 = arith.constant 1 : index
    %get3A_15 = arith.constant 0 : index
    %get3A_16 = arith.constant 0 : index
    %get3A_17 = vector.load %arg1[%get3A_14, %get3A_15, %get3A_16] : memref<2x1000x128xf32, #tpu.memory_space<vmem>>, vector<1x1000x128xf32>
    %get3A_18 = vector.shape_cast %get3A_17 : vector<1x1000x128xf32> to vector<1000x128xf32>
    %dot_general3A_19 = arith.constant dense<0.000000e+00> : vector<1000x128xf32>
    %dot_general3A_20 = tpu.matmul %get3A_18, %get3A_1, %dot_general3A_19 {dimension_numbers = #tpu.dot_dimension_numbers<[1], [0], [0], [1], [0, 0, 1, 1], [], []>, transpose_lhs_hint = false} : vector<1000x128xf32>, vector<128x128xf32>, vector<1000x128xf32> -> vector<1000x128xf32>
    %add3A_21 = vector.broadcast %get3A_4 : vector<1x128xf32> to vector<1000x128xf32>
    %add3A_22 = arith.addf %dot_general3A_20, %add3A_21 : vector<1000x128xf32>
    %max3A_23 = arith.constant 0.000000e+00 : f32
    %max3A_24 = vector.broadcast %max3A_23 : f32 to vector<1000x128xf32>
    %max3A_25 = arith.maximumf %add3A_22, %max3A_24 : vector<1000x128xf32>
    %add3A_26 = arith.addf %max3A_13, %max3A_25 : vector<1000x128xf32>
    %get3A_27 = arith.constant 0 : index
    %get3A_28 = arith.constant 0 : index
    %get3A_29 = vector.load %arg4[%get3A_27, %get3A_28] : memref<128x128xf32, #tpu.memory_space<vmem>>, vector<128x128xf32>
    %dot_general3A_30 = arith.constant dense<0.000000e+00> : vector<1000x128xf32>
    %dot_general3A_31 = tpu.matmul %add3A_26, %get3A_29, %dot_general3A_30 {dimension_numbers = #tpu.dot_dimension_numbers<[1], [0], [0], [1], [0, 0, 1, 1], [], []>, transpose_lhs_hint = false} : vector<1000x128xf32>, vector<128x128xf32>, vector<1000x128xf32> -> vector<1000x128xf32>
    %mul3A = arith.constant 5.000000e-01 : f32
    %mul3A_32 = vector.broadcast %mul3A : f32 to vector<1000x128xf32>
    %mul3A_33 = arith.mulf %dot_general3A_31, %mul3A_32 : vector<1000x128xf32>
    %get3A_34 = arith.constant 0 : index
    %get3A_35 = arith.constant 0 : index
    %get3A_36 = vector.load %arg5[%get3A_34, %get3A_35] : memref<1x128xf32, #tpu.memory_space<vmem>>, vector<1x128xf32>
    %add3A_37 = vector.broadcast %get3A_36 : vector<1x128xf32> to vector<1000x128xf32>
    %add3A_38 = arith.addf %mul3A_33, %add3A_37 : vector<1000x128xf32>
    %max3A_39 = arith.constant 0.000000e+00 : f32
    %max3A_40 = vector.broadcast %max3A_39 : f32 to vector<1000x128xf32>
    %max3A_41 = arith.maximumf %add3A_38, %max3A_40 : vector<1000x128xf32>
    %swap3A = arith.constant 0 : index
    %swap3A_42 = arith.constant 0 : index
    %swap3A_43 = vector.load %arg6[%swap3A, %swap3A_42] : memref<1000x128xf32, #tpu.memory_space<vmem>>, vector<1000x128xf32>
    tpu.vector_store %arg6[%swap3A, %swap3A_42], %max3A_41 {strides = array<i32>} : memref<1000x128xf32, #tpu.memory_space<vmem>>, vector<1000x128xf32>,
    return
  }
  func.func @transform_0(%arg0: i32) -> (i32, i32, i32) {
    %c0_i32 = arith.constant 0 : i32
    %c0_i32_0 = arith.constant 0 : i32
    %c0_i32_1 = arith.constant 0 : i32
    return %c0_i32, %arg0, %c0_i32_0 : i32, i32, i32
  }
  func.func @transform_1(%arg0: i32) -> (i32, i32) {
    %c0_i32 = arith.constant 0 : i32
    %c0_i32_0 = arith.constant 0 : i32
    %c0_i32_1 = arith.constant 0 : i32
    return %c0_i32, %c0_i32_0 : i32, i32
  }
  func.func @transform_2(%arg0: i32) -> (i32, i32) {
    %c0_i32 = arith.constant 0 : i32
    %c0_i32_0 = arith.constant 0 : i32
    %c0_i32_1 = arith.constant 0 : i32
    return %c0_i32, %c0_i32_0 : i32, i32
  }
  func.func @transform_3(%arg0: i32) -> (i32, i32) {
    %c0_i32 = arith.constant 0 : i32
    %c0_i32_0 = arith.constant 0 : i32
    %c0_i32_1 = arith.constant 0 : i32
    return %c0_i32, %c0_i32_0 : i32, i32
  }
  func.func @transform_4(%arg0: i32) -> (i32, i32) {
    %c0_i32 = arith.constant 0 : i32
    %c0_i32_0 = arith.constant 0 : i32
    %c0_i32_1 = arith.constant 0 : i32
    return %c0_i32, %c0_i32_0 : i32, i32
  }
  func.func @transform_5(%arg0: i32) -> (i32, i32) {
    %c0_i32 = arith.constant 0 : i32
    %c0_i32_0 = arith.constant 0 : i32
    return %arg0, %c0_i32 : i32, i32
  }
}

</mosaic_0001>

<sc_bundles>
// kernel: kernel.4.cloned.1.call-start
scs
__scs_entry_jumppad:
0x0: {  	(pc) =	sbr.rel $0x88, $3  }
0x1: {  	(tag) =	ssettag $0x0;
	lr =	simm.s32 $0x1  }
0x2: {  	[smem:$0x3F9A] =	sst lr;
	_ =	strace $0xD0000000  }
0x3: {  	_ = 	snop  }
0x4: {  	_ = 	snop  }
0x5: {  	_ = 	snop  }
0x6: {  	_ = 	snop  }
0x7: {  	_ = 	snop  }
__scs_overlays_trampoline_lowered:
0x8: {  	[smem:$0x3FA9] =	sst s0  }
0x9: {  	[smem:$0x3FAA] =	sst s1  }
0xa: {  	[smem:$0x3FAB] =	sst s2  }
0xb: {  	[smem:$0x3FAC] =	sst s3  }
0xc: {  	[smem:$0x3FAD] =	sst s4  }
0xd: {  	[smem:$0x3FAE] =	sst s5  }
0xe: {  	[smem:$0x3FAF] =	sst s6  }
0xf: {  	[smem:$0x3FB0] =	sst s7  }
0x10: {  	[smem:$0x3FB1] =	sst s8  }
0x11: {  	[smem:$0x3FB2] =	sst s9;
	s0 =	simm.s32 @!p0 $0x0  }
0x12: {  	s1 =	sld [smem:$0x3F98];
	s0 =	simm.s32 @p0 $0x1  }
0x13: {  	[smem:$0x3FB3] =	sst s0;
	s0 =	simm.s32 @!p1 $0x0  }
0x14: {  	s2 =	sld [smem:$0x3F97];
	s0 =	simm.s32 @p1 $0x1  }
0x15: {  	[smem:$0x3FB4] =	sst s0;
	s0 =	simm.s32 @!p2 $0x0  }
0x16: {  	s3 =	sld [smem:$0x3FDB];
	s0 =	simm.s32 @p2 $0x1  }
0x17: {  	s4 =	simm.s32 $0x1BF5;
	[smem:$0x3FB6] =	sst s0  }
0x18: {  	s0 =	sld [smem:$0x3F99];
	_ =	swait.ge [sflag:s4], $0x0  }
0x19: {  	s7 =	sld [smem:$0x3F9A]  }
0x1a: {  	s8 =	sadd.s32 $0xFFFFE003, lr  }
0x1b: {  	s9 =	sadd.s32 $0xFFFFFEF7, lr;
	s5 =	simm.s32 $0xFFFFFFFF;
	p2 =	slt.u32 s8, $0xFFFFF086  }
0x1c: {  	p1 =	slt.u32 s9, $0xF7A;
	s5 =	simm.s32 @!p2 $0x0  }
0x1d: {  	s5 =	simm.s32 @p1 $0x1;
	p0 =	seq.s32 s7, s2  }
0x1e: {  	s7 =	smul.u32 @!p0 $0xF7A, s2;
	p2 =	seq.s32 @!p0 s5, $0x0  }
0x1f: {  	s9 =	smul.u32 $0xF7A, s1;
	s8 =	simm.s32 @!p0 $0x1BF5;
	p2 =	por !p2, p0  }
0x20: {  	[sflag:s8] =	ssyncset.s32 @!p0 $0xFFFFF086;
	s6 =	sadd.s32 @!p0 s3, s7;
	s7 =	simm.s32 @!p0 $0x108  }
0x21: {  	s3 =	sadd.s32 s3, s9;
	s6 =	sadd.s32 @!p0 $0x88, s6;
	s7 =	simm.s32 @p2 $0x1082  }
0x22: {  	[simem:s7], [sflag:s8] =	dma.local @!p0 [hbm:s6], $0xF7A  }
0x23: {  	s9 =	sor.u32 $0xD0000000, s2;
	s6 =	simm.s32 $0x108;
	_ =	swait.ge @!p0 [sflag:s8], $0x0  }
0x24: {  	s3 =	sadd.s32 $0x88, s3;
	s6 =	simm.s32 @!p1 $0x1082;
	[sflag:s4] =	ssyncset.s32 $0xFFFFF086  }
0x25: {  	[simem:s6], [sflag:s4] =	dma.local [hbm:s3], $0xF7A  }
0x26: {  	[smem:$0x3F9A] =	sst s1;
	(tag) =	ssettag s2;
	_ =	strace s9  }
0x27: {  	s1 =	sld [smem:$0x3FAA]  }
0x28: {  	s2 =	sld [smem:$0x3FAB]  }
0x29: {  	s4 =	sld [smem:$0x3FAD]  }
0x2a: {  	p0 =	seq.s32 s5, $0x0;
	s5 =	sld [smem:$0x3FAE]  }
0x2b: {  	s6 =	sld [smem:$0x3FAF]  }
0x2c: {  	s7 =	sld [smem:$0x3FB0]  }
0x2d: {  	s3 =	simm.s32 $0x108;
	s8 =	sld [smem:$0x3FB1]  }
0x2e: {  	s3 =	simm.s32 @!p0 $0x1082;
	s9 =	sld [smem:$0x3FB2]  }
0x2f: {  	lr =	sadd.s32 s0, s3;
	s0 =	sld [smem:$0x3FA9]  }
0x30: {  	s3 =	sld [smem:$0x3FAC]  }
0x31: {  	[smem:$0x3FB5] =	sst s10  }
0x32: {  	s10 =	sld [smem:$0x3FB3];
	_ =	sdelay $0x3  }
0x33: {  	p0 =	seq.s32 s10, $0x1;
	s10 =	sld [smem:$0x3FB5];
	_ =	sdelay $0x3  }
0x34: {  	[smem:$0x3FB5] =	sst s10  }
0x35: {  	s10 =	sld [smem:$0x3FB4];
	_ =	sdelay $0x3  }
0x36: {  	p1 =	seq.s32 s10, $0x1;
	s10 =	sld [smem:$0x3FB5];
	_ =	sdelay $0x3  }
0x37: {  	[smem:$0x3FB5] =	sst s10  }
0x38: {  	s10 =	sld [smem:$0x3FB6]  }
0x39: {  	_ = 	snop;
	(pc) =	sbr.ind lr, $3  }
0x3a: {  	_ = 	snop  }
0x3b: {  	_ = 	snop  }
0x3c: {  	p2 =	seq.s32 s10, $0x1;
	s10 =	sld [smem:$0x3FB5]  }
0x3d: {  	_ =	shalt  }
0x3e: {  	_ =	shalt  }
0x3f: {  	_ =	shalt  }
0x40: {  	_ =	shalt  }
0x41: {  	_ =	shalt  }
0x42: {  	_ =	shalt  }
0x43: {  	_ =	shalt  }
0x44: {  	_ =	shalt  }
0x45: {  	_ =	shalt  }
0x46: {  	_ =	shalt  }
0x47: {  	_ =	shalt  }
0x48: {  	_ =	shalt  }
0x49: {  	_ =	shalt  }
0x4a: {  	_ =	shalt  }
0x4b: {  	_ =	shalt  }
0x4c: {  	_ =	shalt  }
0x4d: {  	_ =	shalt  }
0x4e: {  	_ =	shalt  }
0x4f: {  	_ =	shalt  }
0x50: {  	_ =	shalt  }
0x51: {  	_ =	shalt  }
0x52: {  	_ =	shalt  }
0x53: {  	_ =	shalt  }
0x54: {  	_ =	shalt  }
0x55: {  	_ =	shalt  }
0x56: {  	_ =	shalt  }
0x57: {  	_ =	shalt  }
0x58: {  	_ =	shalt  }
0x59: {  	_ =	shalt  }
0x5a: {  	_ =	shalt  }
0x5b: {  	_ =	shalt  }
0x5c: {  	_ =	shalt  }
0x5d: {  	_ =	shalt  }
0x5e: {  	_ =	shalt  }
0x5f: {  	_ =	shalt  }
0x60: {  	_ =	shalt  }
0x61: {  	_ =	shalt  }
0x62: {  	_ =	shalt  }
0x63: {  	_ =	shalt  }
0x64: {  	_ =	shalt  }
0x65: {  	_ =	shalt  }
0x66: {  	_ =	shalt  }
0x67: {  	_ =	shalt  }
0x68: {  	_ =	shalt  }
0x69: {  	_ =	shalt  }
0x6a: {  	_ =	shalt  }
0x6b: {  	_ =	shalt  }
0x6c: {  	_ =	shalt  }
0x6d: {  	_ =	shalt  }
0x6e: {  	_ =	shalt  }
0x6f: {  	_ =	shalt  }
0x70: {  	_ =	shalt  }
0x71: {  	_ =	shalt  }
0x72: {  	_ =	shalt  }
0x73: {  	_ =	shalt  }
0x74: {  	_ =	shalt  }
0x75: {  	_ =	shalt  }
0x76: {  	_ =	shalt  }
0x77: {  	_ =	shalt  }
0x78: {  	_ =	shalt  }
0x79: {  	_ =	shalt  }
0x7a: {  	_ =	shalt  }
0x7b: {  	_ =	shalt  }
0x7c: {  	_ =	shalt  }
0x7d: {  	_ =	shalt  }
0x7e: {  	_ =	shalt  }
0x7f: {  	_ =	shalt  }
0x80: {  	_ =	shalt  }
0x81: {  	_ =	shalt  }
0x82: {  	_ =	shalt  }
0x83: {  	_ =	shalt  }
0x84: {  	_ =	shalt  }
0x85: {  	_ =	shalt  }
0x86: {  	_ =	shalt  }
0x87: {  	_ =	shalt  }
.Lfunc_end0:
.L_simem_size_0:
called_computation_lowered:
.L_overlay_start_0:
0x88: {  	s2 =	sld [smem:$0x3FD9]  }
0x89: {  	s3 =	sld [smem:$0x3FFE];
	_ =	sdelay $0x1  }
0x8a: {  	s1 =	srdreg.scid  }
0x8b: {  	s0 =	sand.u32 $0x1, s1  }
0x8c: {  	s17 =	sshll.u32 s0, $0xA;
	s2 =	sadd.s32 s3, s2  }
0x8d: {  	s2 =	sadd.s32 s2, s17  }
0x8e: {  	[smem:$0x3FC1] =	sst s2  }
0x8f: {  	_ = 	snop  }
0x90: {  	s2 =	sld [smem:$0x3FC9];
	(tm) =	ssettm $0x1  }
0x91: {  	s18 =	sld [smem:$0x3FFB];
	_ =	sdelay $0x3  }
0x92: {  	_ =	strace s18  }
0x93: {  	s3 =	sld [smem:$0x3FFC];
	_ =	sdelay $0x3  }
0x94: {  	_ =	strace s3  }
0x95: {  	s3 =	sld [smem:$0x3FFD];
	_ =	sdelay $0x3  }
0x96: {  	_ =	strace s3  }
0x97: {  	_ =	strace $0x8FFFFFFF  }
0x98: {  	s19 =	sld [smem:$0x3FDB];
	_ =	sdelay $0x1  }
0x99: {  	s4 =	simm.s32 $_scs_section_size  }
0x9a: {  	s5 =	simm.s32 $_size__tile_overlayer_lowered;
	s6 =	simm.s32 $_tile_overlayer_lowered  }
0x9b: {  	s22 =	simm.s32 $0x1BFF;
	s21 =	sshll.u32 s6, $0x1;
	s3 =	sadd.s32 s4, s19  }
0x9c: {  	s7 =	simm.s32 $0x0;
	s20 =	sshll.u32 s5, $0x1;
	s5 =	sadd.s32 s21, s3  }
0x9d: {  	[timem:s7], [sflag:s22] =	dma.local [hbm:s5], s20  }
0x9e: {  	_ =	swait.ge [sflag:s22], s20  }
0x9f: {  	s4 =	ssub.s32 $0x0, s20;
	[sflag:s22] =	ssyncset.done $0x0  }
0xa0: {  	[sflag:s22] =	ssyncadd.s32 s4;
	_ =	sdelay $0x1  }
0xa1: {  	s23 =	simm.s32 $0x1B8B  }
0xa2: {  	_ =	swait.ge [sflag:s23], $0x1  }
0xa3: {  	[sflag:s23] =	ssyncset.done $0x0  }
0xa4: {  	s25 =	simm.s32 $0x1B8E;
	s24 =	sld [smem:$0x3FFE];
	[sflag:s23] =	ssyncadd.s32 $0xFFFFFFFF  }
0xa5: {  	s26 =	simm.s32 $execute0_lowered;
	[smem:$0x3FD2] =	sst s25  }
0xa6: {  	s5 =	sshll.u32 s26, $0x1;
	_ =	strace $0x80000046;
	[dreg:$0x1] =	wrdreg $0xFFFFFFFF  }
0xa7: {  	s28 =	simm.s32 $_size_execute0_lowered;
	s3 =	sadd.s32 s3, s5;
	[dreg:$0x0] =	wrdreg $0x0  }
0xa8: {  	s5 =	sshll.u32 s28, $0x1;
	[dreg:$0x2] =	wrdreg s3  }
0xa9: {  	[dreg:$0x3] =	wrdreg s5  }
0xaa: {  	[dreg:$0x4] =	wrdreg $0xC0  }
0xab: {  	_ =	task [dreg:s7], $0x5FFFF  }
0xac: {  	[dreg:$0x1] =	wrdreg $0xFFFFFFFF  }
0xad: {  	[dreg:$0x0] =	wrdreg $0x60  }
0xae: {  	[dreg:$0x2] =	wrdreg s2  }
0xaf: {  	[dreg:$0x3] =	wrdreg s24  }
0xb0: {  	[dreg:$0x4] =	wrdreg $0xC0000  }
0xb1: {  	[dreg:$0x5] =	wrdreg $0x9  }
0xb2: {  	_ =	task.clear_ibuf [dreg:s7], $0x6FFFF;
	_ =	strace $0x90000046  }
0xb3: {  	s29 =	simm.s32 $0x9;
	_ =	strace $0x80000048  }
0xb4: {  	_ =	swait.ge [sflag:s29], $0x1  }
0xb5: {  	[sflag:s29] =	ssyncadd.s32 $0xFFFFFFFF  }
0xb6: {  	_ =	strace $0x90000048  }
0xb7: {  	_ =	sfence  }
0xb8: {  	s30 =	sld [smem:$0x0];
	_ =	sdelay $0x2  }
0xb9: {  	s31 =	sshll.u32 s1, $0xD;
	s1 =	sshrl.u32 s1, $0x2  }
0xba: {  	s3 =	sand.u32 $0x4000, s31;
	s1 =	sadd.s32 s1, s30  }
0xbb: {  	s0 =	sor.u32 s3, s0;
	s1 =	sshll.u32 s1, $0x11  }
0xbc: {  	s0 =	sor.u32 s1, s0  }
0xbd: {  	s0 =	sadd.s32 $0x8F2B, s0  }
0xbe: {  	[sflag:s0] =	ssyncadd.remote.s32 $0x1  }
0xbf: {  	_ =	sfence.sel $0xFFFF  }
0xc0: {  	[dreg:$0x0] =	wrdreg $0xFFFFFFFF;
	(pc) =	sbr.abs _section_cstart, $3  }
0xc1: {  	[dreg:$0x1] =	wrdreg $0xFFFFFFFF  }
0xc2: {  	_ =	task.clear_ibuf [dreg:s7], $0x2FFFF;
	_ =	strace $0x9FFFFFFF  }
0xc3: {  	(tm) =	ssettm $0x7FFFFFFF  }
tec
execute0_lowered:
.L_overlay_start_1:
0x0: {  	(tag) =	ssettag $0x1  }
0x1: {  	s1 =	rddreg [dreg:$0x0]  }
0x2: {  	s2 =	rddreg [dreg:$0x1]  }
0x3: {  	s3 =	rddreg [dreg:$0x2];
	s4 =	simm.s32 $0x0  }
0x4: {  	s0 =	srdreg.scid;
	s6 =	stileid.u32;
	s19 =	simm.s32 $0x20  }
0x5: {  	s20 =	simm.s32 $0xB;
	s28 =	simm.s32 $0x12;
	s29 =	simm.s32 $0x0  }
0x6: {  	[smem:$0x7FF] =	sst s4;
	s5 =	sadd.s32 $0x64000, s2;
	s8 =	smul.u32 $0x4E000, s6  }
0x7: {  	s0 =	sand.u32 $0x1, s0;
	s13 =	sadd.s32 $0xC8000, s2;
	s11 =	smul.u32 $0x13800, s6  }
0x8: {  	s24 =	sshll.u32 s6, $0x6;
	s17 =	sadd.s32 $0x138000, s3;
	s26 =	sadd.s32 $0x27000, s1  }
0x9: {  	p0 =	sne.s32 s6, $0x0;
	_ =	strace $0x80000047;
	s7 =	ssub.s32 $0x2, s0  }
0xa: {  	s10 =	sshll.u32 s0, $0x4;
	s0 =	smul.u32 $0x138800, s0;
	[dreg:$0x5] =	wrdreg s26  }
0xb: {  	s17 =	sshrl.u32 @!p0 s17, $0x3;
	s26 =	simm.s32 $0x11;
	s9 =	sshrl.u32 s7, $0x1  }
0xc: {  	s21 =	sor.u32 s6, s10;
	s8 =	sshrl.u32 s8, $0x2;
	s22 =	sshrl.u32 s11, $0x3  }
0xd: {  	s14 =	ssub.s32 s7, s9;
	s15 =	sadd.s32 s8, s3;
	s12 =	smul.u32 $0x19000, s21  }
0xe: {  	s23 =	sadd.s32 s1, s22;
	s7 =	sor.u32 $0x1C13, s24;
	s11 =	sadd.s32 s11, s0  }
0xf: {  	s0 =	sshrl.u32 s0, $0x3;
	s21 =	simm.s32 $0xC;
	s22 =	simm.s32 $0xD  }
0x10: {  	s24 =	simm.s32 $0xF;
	[dreg:$0x4] =	wrdreg s23;
	s16 =	sshrl.u32 s11, $0x3  }
.Ltmp0:
0x11: {  	s0 =	sadd.s32 s13, s0;
	s14 =	smax.u32 s14, $0x1;
	(pc) =	sbr.rel .LBB2_1-.Ltmp0, $4  }
0x12: {  	s15 =	sshrl.u32 s15, $0x3;
	s23 =	simm.s32 $0xE;
	s25 =	sshrl.u32 s12, $0x3  }
0x13: {  	s11 =	sadd.s32 $0x1000, s12;
	s12 =	sadd.s32 s13, s16;
	s30 =	sadd.s32 s2, s25  }
0x14: {  	s13 =	sadd.s32 $0x27000, s0;
	s31 =	sadd.s32 s5, s25;
	[dreg:$0x6] =	wrdreg s30  }
0x15: {  	s16 =	simm.s32 $0x13;
	s25 =	simm.s32 $0x10;
	[dreg:$0x7] =	wrdreg s31  }
.LBB2_7:
0x16: {  	_ =	swait.ge [sflag:s20], $0x1000  }
0x17: {  	[sflag:s20] =	ssyncset.done $0x0  }
0x18: {  	[sflag:s20] =	ssyncadd.s32 $0xFFFFF000  }
0x19: {  	_ =	swait.ge [sflag:s21], $0x1000  }
0x1a: {  	[sflag:s21] =	ssyncset.done $0x0  }
0x1b: {  	[sflag:s21] =	ssyncadd.s32 $0xFFFFF000  }
0x1c: {  	_ =	swait.ge [sflag:s22], $0x1000  }
0x1d: {  	[sflag:s22] =	ssyncset.done $0x0  }
0x1e: {  	[sflag:s22] =	ssyncadd.s32 $0xFFFFF000  }
0x1f: {  	_ =	swait.ge [sflag:s23], $0x1000  }
0x20: {  	[sflag:s23] =	ssyncset.done $0x0  }
0x21: {  	[sflag:s23] =	ssyncadd.s32 $0xFFFFF000  }
0x22: {  	_ =	swait.ge [sflag:s24], $0x1000  }
0x23: {  	[sflag:s24] =	ssyncset.done $0x0  }
0x24: {  	[sflag:s24] =	ssyncadd.s32 $0xFFFFF000  }
0x25: {  	_ =	swait.ge [sflag:s25], $0x1000  }
0x26: {  	[sflag:s25] =	ssyncset.done $0x0  }
0x27: {  	[sflag:s25] =	ssyncadd.s32 $0xFFFFF000  }
0x28: {  	_ =	swait.ge [sflag:s26], $0x1000  }
0x29: {  	[sflag:s26] =	ssyncset.done $0x0  }
0x2a: {  	[sflag:s26] =	ssyncadd.s32 $0xFFFFF000  }
0x2b: {  	_ =	swait.ge [sflag:s28], $0x1000  }
0x2c: {  	[sflag:s28] =	ssyncset.done $0x0  }
0x2d: {  	[sflag:s28] =	ssyncadd.s32 $0xFFFFF000  }
0x2e: {  	[bflag:$0x0] =	sbarrier.arrive $0xFFFF  }
0x2f: {  	[hbm:s12], [sflag:s7] =	dma.local [spmem:s15], $0x2700  }
0x30: {  	s29 =	sadd.s32 $0x1, s29;
	_ =	swait.ge [sflag:s16], $0x2700  }
0x31: {  	p1 =	sne.s32 s29, s14;
	[sflag:s16] =	ssyncset.done $0x0  }
.Ltmp1:
0x32: {  	s0 =	simm.s32 @!p0 $0x13;
	[sflag:s16] =	ssyncadd.s32 $0xFFFFD900;
	(pc) =	sbr.rel @!p1 .LBB2_8-.Ltmp1, $4  }
0x33: {  	[hbm:s13], [sflag:s7] =	dma.local @!p0 [spmem:s17], $0x100  }
0x34: {  	_ =	swait.ge @!p0 [sflag:s0], $0x100  }
0x35: {  	[sflag:s0] =	ssyncset.done @!p0 $0x0  }
0x36: {  	[sflag:s0] =	ssyncadd.s32 @!p0 $0xFFFFFF00  }
.LBB2_1:
0x37: {  	s0 =	rddreg [dreg:$0x4]  }
0x38: {  	[spmem:s15], [sflag:s7] =	dma.local [hbm:s0], $0x2700  }
0x39: {  	_ =	swait.ge [sflag:s16], $0x2700  }
0x3a: {  	[sflag:s16] =	ssyncset.done $0x0  }
0x3b: {  	s0 =	rddreg [dreg:$0x5];
	[sflag:s16] =	ssyncadd.s32 $0xFFFFD900  }
0x3c: {  	[spmem:s17], [sflag:s7] =	dma.local @!p0 [hbm:s0], $0x100  }
0x3d: {  	s0 =	simm.s32 @!p0 $0x13  }
0x3e: {  	_ =	swait.ge @!p0 [sflag:s0], $0x100  }
0x3f: {  	[sflag:s0] =	ssyncset.done @!p0 $0x0  }
0x40: {  	[sflag:s0] =	ssyncadd.s32 @!p0 $0xFFFFFF00  }
0x41: {  	[bflag:$0x0] =	sbarrier.arrive $0xFFFF  }
0x42: {  	s10 =	rddreg [dreg:$0x6]  }
0x43: {  	[tilespmem:s4], [sflag:$0x13] =	stream.linear.gather [hbm4b:s10+s4], $0xC80, $0x38;
	[tilespmem:$0x1F880] =	vst v63  }
0x44: {  	_ =	swait.ge [sflag:s16], $0xC80  }
0x45: {  	[sflag:s16] =	ssyncset.done $0x0  }
0x46: {  	s6 =	simm.s32 $0x2000;
	s18 =	rddreg [dreg:$0x7];
	[sflag:s16] =	ssyncadd.s32 $0xFFFFF380  }
0x47: {  	[tilespmem:s6], [sflag:$0x13] =	stream.linear.gather [hbm4b:s18+s4], $0xC80, $0x38;
	[tilespmem:$0x1F880] =	vst v63  }
0x48: {  	_ =	swait.ge [sflag:s16], $0xC80  }
0x49: {  	[sflag:s16] =	ssyncset.done $0x0  }
0x4a: {  	s31 =	simm.s32 $0x4000;
	[sflag:s16] =	ssyncadd.s32 $0xFFFFF380  }
0x4b: {  	[tilespmem:s31], [sflag:$0x1] =	stream.indirect.gather [hbm4b:s1+s19], $0x80, s4, s19, $0xb8;
	[tilespmem:$0x1F880] =	vst v63  }
0x4c: {  	s8 =	simm.s32 $0x5000;
	s6 =	simm.s32 $0x80  }
0x4d: {  	[tilespmem:s8], [sflag:$0x2] =	stream.indirect.gather [hbm4b:s1+s19], $0x80, s6, s19, $0xb8;
	[tilespmem:$0x1F880] =	vst v63  }
0x4e: {  	s9 =	simm.s32 $0x100;
	s10 =	simm.s32 $0x6000  }
0x4f: {  	[tilespmem:s10], [sflag:$0x3] =	stream.indirect.gather [hbm4b:s1+s19], $0x80, s9, s19, $0xb8;
	[tilespmem:$0x1F880] =	vst v63  }
0x50: {  	s18 =	simm.s32 $0x180;
	s31 =	simm.s32 $0x7000  }
0x51: {  	[tilespmem:s31], [sflag:$0x4] =	stream.indirect.gather [hbm4b:s1+s19], $0x80, s18, s19, $0xb8;
	[tilespmem:$0x1F880] =	vst v63  }
0x52: {  	s6 =	simm.s32 $0x200;
	s8 =	simm.s32 $0x8000  }
0x53: {  	[tilespmem:s8], [sflag:$0x5] =	stream.indirect.gather [hbm4b:s1+s19], $0x80, s6, s19, $0xb8;
	[tilespmem:$0x1F880] =	vst v63  }
.Ltmp2:
0x54: {  	_ = 	snop;
	(pc) =	sbr.rel .LBB2_2-.Ltmp2, $4  }
0x55: {  	s9 =	simm.s32 $0x280;
	s10 =	simm.s32 $0x9000  }
0x56: {  	[tilespmem:s10], [sflag:$0x6] =	stream.indirect.gather [hbm4b:s1+s19], $0x80, s9, s19, $0xb8;
	[tilespmem:$0x1F880] =	vst v63  }
0x57: {  	s30 =	simm.s32 $0x0;
	s18 =	simm.s32 $0x300;
	s31 =	simm.s32 $0xA000  }
0x58: {  	[tilespmem:s31], [sflag:$0x7] =	stream.indirect.gather [hbm4b:s1+s19], $0x80, s18, s19, $0xb8;
	[tilespmem:$0x1F880] =	vst v63  }
.LBB2_3:
0x59: {  	s6 =	sshll.u32 s6, $0xC  }
0x5a: {  	s6 =	sadd.s32 s6, s11  }
0x5b: {  	s8 =	sxor.u32 $0x1, s0;
	s6 =	sshrl.u32 s6, $0x3  }
0x5c: {  	s9 =	sadd.s32 $0x9, s8;
	s8 =	sshll.u32 s8, $0xC;
	s10 =	sadd.s32 s2, s6  }
0x5d: {  	[tilespmem:s8], [sflag:s9] =	stream.linear.gather [hbm4b:s10+s4], $0xC80, $0x38;
	[tilespmem:$0x1F880] =	vst v63  }
0x5e: {  	s6 =	sadd.s32 s5, s6;
	s8 =	sor.u32 $0x2000, s8  }
0x5f: {  	[tilespmem:s8], [sflag:s9] =	stream.linear.gather [hbm4b:s6+s4], $0xC80, $0x38;
	[tilespmem:$0x1F880] =	vst v63  }
.LBB2_5:
0x60: {  	s6 =	sadd.s32 $0x1F5C9, s18  }
0x61: {  	s8 =	sadd.s32 $0x7, s30;
	s6 =	sshrl.u32 s6, $0x10  }
0x62: {  	s9 =	ssub.s32 s8, s6  }
0x63: {  	s9 =	sand.u32 $0xFFFE, s9  }
0x64: {  	s9 =	sshrl.u32 s9, $0x1  }
0x65: {  	s6 =	sadd.s32 s6, s9  }
0x66: {  	s6 =	sand.u32 $0xFFF0, s6  }
0x67: {  	s6 =	sshrl.u32 s6, $0x4  }
0x68: {  	s10 =	smul.u32 $0x19, s6;
	_ =	sdelay $0x1  }
0x69: {  	s9 =	ssub.s32 s8, s10  }
0x6a: {  	s10 =	sand.u32 $0xFFFF, s9  }
0x6b: {  	s18 =	sand.u32 $0x1, s6;
	p1 =	sne.s32 s10, $0x0  }
0x6c: {  	s10 =	sadd.s32 @!p1 $0x9, s18  }
0x6d: {  	_ =	swait.ge @!p1 [sflag:s10], $0xC80  }
0x6e: {  	[sflag:s10] =	ssyncset.done @!p1 $0x0  }
0x6f: {  	[sflag:s10] =	ssyncadd.s32 @!p1 $0xFFFFF380  }
0x70: {  	p2 =	seq.s32 s30, $0x0;
	_ =	swait.ge @!p1 [sflag:s10], $0xC80  }
0x71: {  	s6 =	sshll.u32 s6, $0xC;
	s8 =	sand.u32 $0x7, s8;
	[sflag:s10] =	ssyncset.done @!p1 $0x0  }
0x72: {  	s9 =	sshll.u32 s9, $0x7;
	[sflag:s10] =	ssyncadd.s32 @!p1 $0xFFFFF380;
	s10 =	sadd.s32 @!p2 $0xB, s8  }
0x73: {  	s6 =	sand.u32 $0x1000, s6;
	s9 =	sand.u32 $0x3F80, s9;
	_ =	swait.ge @!p2 [sflag:s10], $0x1000  }
0x74: {  	s18 =	sshll.u32 s8, $0xC;
	s6 =	sadd.s32 s9, s6;
	[sflag:s10] =	ssyncset.done @!p2 $0x0  }
0x75: {  	s8 =	sadd.s32 $0x1, s8;
	[sflag:s10] =	ssyncadd.s32 @!p2 $0xFFFFF000;
	s10 =	sadd.s32 $0x4000, s18  }
0x76: {  	[tilespmem:s10], [sflag:s8] =	stream.indirect.gather [hbm4b:s1+s19], $0x80, s6, s19, $0xb8;
	[tilespmem:$0x1F880] =	vst v63  }
.LBB2_6:
0x77: {  	s6 =	sand.u32 $0x7, s30;
	s30 =	sadd.s32 $0x1, s30  }
0x78: {  	s10 =	sshll.u32 s31, $0x7;
	p1 =	sne.s32 s30, $0x271  }
.Ltmp3:
0x79: {  	s0 =	sshll.u32 s0, $0xC;
	s9 =	sadd.s32 $0x1, s6;
	(pc) =	sbr.rel @!p1 .LBB2_7-.Ltmp3, $4  }
0x7a: {  	s8 =	sshll.u32 s6, $0xC;
	s10 =	sand.u32 $0x3F80, s10;
	_ =	swait.ge [sflag:s9], $0x1000  }
0x7b: {  	s6 =	sadd.s32 $0xB, s6;
	s0 =	sadd.s32 s10, s0;
	[sflag:s9] =	ssyncset.done $0x0  }
0x7c: {  	s8 =	sadd.s32 $0x4000, s8;
	s0 =	sadd.s32 $0x2000, s0;
	[sflag:s9] =	ssyncadd.s32 $0xFFFFF000  }
0x7d: {  	[spmem:s3] =	stream.indirect.scatter.add.f32 [tilespmem:s8], [sflag:s6], $0x80, s0, s19, $0xb8;
	[tilespmem:$0x1F880] =	vst v63  }
.LBB2_2:
0x7e: {  	s18 =	smul.u32 $0x47AF, s30;
	_ =	sdelay $0x1  }
0x7f: {  	s0 =	sshrl.u32 s18, $0x10  }
0x80: {  	s6 =	ssub.s32 s30, s0  }
0x81: {  	s6 =	sand.u32 $0xFFFE, s6  }
0x82: {  	s6 =	sshrl.u32 s6, $0x1  }
0x83: {  	s0 =	sadd.s32 s0, s6  }
0x84: {  	s0 =	sand.u32 $0xFFF0, s0  }
0x85: {  	s6 =	sshrl.u32 s0, $0x4  }
0x86: {  	s0 =	smul.u32 $0x19, s6;
	_ =	sdelay $0x1  }
0x87: {  	p1 =	sgt.u32 s30, $0x257;
	s31 =	ssub.s32 s30, s0  }
0x88: {  	s0 =	sand.u32 @!p1 $0xFFFF, s31  }
0x89: {  	p2 =	sne.s32 @!p1 s0, $0x0  }
0x8a: {  	p1 =	por p1, p2  }
.Ltmp4:
0x8b: {  	_ = 	snop;
	(pc) =	sbr.rel @!p1 .LBB2_3-.Ltmp4, $2  }
0x8c: {  	_ =	sdelay $0x2  }
0x8d: {  	s0 =	sand.u32 $0x1, s6  }
0x8e: {  	p1 =	sgt.u32 s30, $0x269  }
.Ltmp5:
0x8f: {  	_ = 	snop;
	(pc) =	sbr.rel @p1 .LBB2_6-.Ltmp5, $4  }
.Ltmp6:
0x90: {  	_ = 	snop;
	(pc) =	sbr.rel @!p1 .LBB2_5-.Ltmp6, $4  }
0x91: {  	_ = 	snop  }
0x92: {  	_ = 	snop  }
0x93: {  	_ = 	snop  }
0x94: {  	_ = 	snop  }
.LBB2_8:
0x95: {  	_ =	sfence.sel $0x180000  }
0x96: {  	[bflag:$0x0] =	sbarrier.arrive $0xFFFF  }
0x97: {  	_ =	strace $0x90000047  }
0x98: {  	[bflag:$0x2] =	sbarrier.arrive $0xFFFF  }
0x99: {  	s0 =	rddreg [dreg:$0x3]  }
0x9a: {  	s0 =	sadd.s32 @!p0 $0x100000, s0  }
0x9b: {  	[sflag:s0] =	ssyncadd.tile.s32 @!p0 $0x1;
	_ =	shalt  }
.Lfunc_end2:
_tile_overlayer_lowered:
.L_overlay_start_2:
0x9c: {  	(tag) =	ssettag $0x2  }
0x9d: {  	s0 =	rddreg [dreg:$0x0];
	s2 =	stileid.u32  }
0x9e: {  	s1 =	rddreg [dreg:$0x1];
	p0 =	sne.s32 s2, $0x0  }
0x9f: {  	s3 =	rddreg [dreg:$0x2];
	[bflag:$0x3] =	sbarrier.arrive $0xFFFF;
	s2 =	simm.s32 @!p0 $0x1C13  }
0xa0: {  	[timem:s3], [sflag:s2] =	dma.local @!p0 [hbm:s0], s1  }
0xa1: {  	s0 =	simm.s32 @!p0 $0x13  }
0xa2: {  	_ =	swait.ge @!p0 [sflag:s0], s1  }
0xa3: {  	s1 =	ssub.s32 @!p0 $0x0, s1;
	[sflag:s0] =	ssyncset.done @!p0 $0x0  }
0xa4: {  	[sflag:s0] =	ssyncadd.s32 @!p0 s1  }
0xa5: {  	[bflag:$0x3] =	sbarrier.arrive $0xFFFF  }
0xa6: {  	_ =	shalt  }

</sc_bundles>
